<compile_context>
chip_gen: v7x
topology: tpu7x:2x2x1
jax: 0.10.2.dev20260603
libtpu: 0.0.44.dev20260713+nightly
codegen_flags: <defaults>
</compile_context>

<pallas_src>
import functools

import jax
import jax.numpy as jnp
from jax import lax
from jax.experimental import pallas as pl
from jax.experimental.pallas import tpu as pltpu
from jax.experimental.pallas import tpu_sc as plsc

N = 320000
D = 128
S = 10000
SPH = 5120
SP = 2 * SPH
NC = 2
NS = 16
RPT = N // NS
CH = 80
NCHUNK = RPT // CH
SEG_PER_TILE = SPH // NS
ZCH = 64

_mesh = plsc.VectorSubcoreMesh(core_axis_name="c", subcore_axis_name="s",
                               num_cores=2)


def _remap(idxbuf, idxadj, c):
    base = c * SPH
    for l in range(CH // 16):
        iv = idxbuf[pl.ds(l * 16, 16)]
        loc = iv - base
        ok = jnp.logical_and(loc >= 0, loc < SPH)
        idxadj[pl.ds(l * 16, 16)] = jnp.where(ok, loc, SPH)


@functools.partial(
    pl.kernel,
    out_type=jax.ShapeDtypeStruct((NC, SPH, D), jnp.float32),
    mesh=_mesh,
    scratch_types=[
        pltpu.VMEM((CH, D), jnp.float32),
        pltpu.VMEM((CH,), jnp.int32),
        pltpu.VMEM((CH,), jnp.int32),
        pltpu.VMEM_SHARED((SPH + 8, D), jnp.float32),
    ],
)
def _sc_segment_sum(z_hbm, idx_hbm, zeros_hbm, sums_out, zbuf, idxbuf, idxadj,
                    acc):
    c = lax.axis_index("c")
    s = lax.axis_index("s")
    row0 = s * RPT

    for k in range(SEG_PER_TILE // ZCH):
        base = s * SEG_PER_TILE + k * ZCH
        pltpu.sync_copy(zeros_hbm, acc.at[pl.ds(base, ZCH)])
    plsc.subcore_barrier()

    def _chunk(j, _):
        pltpu.sync_copy(idx_hbm.at[pl.ds(row0 + j * CH, CH)], idxbuf)
        pltpu.sync_copy(z_hbm.at[pl.ds(row0 + j * CH, CH)], zbuf)
        _remap(idxbuf, idxadj, c)
        pltpu.sync_copy(zbuf, acc.at[idxadj], add=True)
        return 0

    lax.fori_loop(0, NCHUNK, _chunk, 0)
    plsc.subcore_barrier()

    sl = pl.ds(s * SEG_PER_TILE, SEG_PER_TILE)
    pltpu.sync_copy(acc.at[sl], sums_out.at[c, sl])


@functools.partial(
    pl.kernel,
    out_type=jax.ShapeDtypeStruct((NC, SPH, D), jnp.float32),
    mesh=_mesh,
    scratch_types=[
        pltpu.VMEM((CH, D), jnp.float32),
        pltpu.VMEM((CH,), jnp.int32),
        pltpu.VMEM((CH,), jnp.int32),
        pltpu.VMEM_SHARED((SPH + 8, D), jnp.float32),
    ],
)
def _sc_segment_count(idx_hbm, zeros_hbm, ones_hbm, cnts_out, onesbuf, idxbuf,
                      idxadj, acc):
    c = lax.axis_index("c")
    s = lax.axis_index("s")
    row0 = s * RPT

    pltpu.sync_copy(ones_hbm, onesbuf)
    for k in range(SEG_PER_TILE // ZCH):
        base = s * SEG_PER_TILE + k * ZCH
        pltpu.sync_copy(zeros_hbm, acc.at[pl.ds(base, ZCH)])
    plsc.subcore_barrier()

    def _chunk(j, _):
        pltpu.sync_copy(idx_hbm.at[pl.ds(row0 + j * CH, CH)], idxbuf)
        _remap(idxbuf, idxadj, c)
        pltpu.sync_copy(onesbuf, acc.at[idxadj], add=True)
        return 0

    lax.fori_loop(0, NCHUNK, _chunk, 0)
    plsc.subcore_barrier()

    sl = pl.ds(s * SEG_PER_TILE, SEG_PER_TILE)
    pltpu.sync_copy(acc.at[sl], cnts_out.at[c, sl])


def _finish_body(sums_ref, cnt_ref, w_ref, b_ref, o_ref):
    total = jnp.concatenate([sums_ref[0], sums_ref[1]], axis=0)
    counts = jnp.concatenate([cnt_ref[0][:, :1], cnt_ref[1][:, :1]], axis=0)
    inv = 1.0 / jnp.maximum(counts, 1.0)
    o_ref[...] = (
        jnp.dot(total * inv, w_ref[...], preferred_element_type=jnp.float32)
        + b_ref[...]
    )


def kernel(z_sub, belong, W_out, b_out):
    idx = belong.astype(jnp.int32)
    zeros = jnp.zeros((ZCH, D), jnp.float32)
    ones = jnp.ones((CH, D), jnp.float32)
    sums = _sc_segment_sum(z_sub, idx, zeros)
    cnts = _sc_segment_count(idx, zeros, ones)
    out = pl.pallas_call(
        _finish_body,
        out_shape=jax.ShapeDtypeStruct((SP, W_out.shape[1]), jnp.float32),
    )(sums, cnts, W_out, b_out.reshape(1, -1))
    return out[:S]

# --- scband reference (transcript-rebuilt; emitter-appended) ---
"""Pipeline reference for scband-posgsl-24335284699138 (READ-ONLY COPY).

The authoritative reference and input builder live on the scoring server;
editing this copy changes nothing except your own understanding.
"""

import jax, jax.numpy as jnp
import numpy as np

NUM_SEGMENTS = 10000
N = 320000
D = 128
N_CLASS = 10

def setup_inputs(seed: int = 0) -> dict:
    key = jax.random.key(seed)
    k1, k2, k3 = jax.random.split(key, 3)
    z_sub = jax.random.normal(k1, (N, D), dtype=jnp.float32)
    belong = jnp.sort(jax.random.randint(k2, (N,), 0, NUM_SEGMENTS, dtype=jnp.int64))
    W_out = jax.random.normal(k3, (D, N_CLASS), dtype=jnp.float32) * (1.0 / np.sqrt(D))
    b_out = jnp.zeros((N_CLASS,), dtype=jnp.float32)
    return {"z_sub": z_sub, "belong": belong, "W_out": W_out, "b_out": b_out}

def reference(z_sub, belong, W_out, b_out):
    # Core of POSGSL.forward_wo_gsl (use_gate=False branch):
    #   z_global = scatter(z_sub, belong, reduce='mean')
    #   output   = encoder.output_linear(z_global)
    sums = jax.ops.segment_sum(z_sub, belong, num_segments=NUM_SEGMENTS)
    counts = jax.ops.segment_sum(jnp.ones((z_sub.shape[0],), dtype=z_sub.dtype), belong, num_segments=NUM_SEGMENTS)
    z_global = sums / jnp.clip(counts, 1.0, None)[:, None]
    output = z_global @ W_out + b_out
    return output

if __name__ == "__main__":
    import jax
    _d = setup_inputs()
    print(jax.jit(kernel)(*tuple(_d.values())))

</pallas_src>

<mosaic_0001>
#map = affine_map<(d0, d1) -> (0, 0)>
#map1 = affine_map<(d0, d1) -> (0)>
#map2 = affine_map<(d0, d1) -> (0, 0, 0)>
module attributes {stable_mosaic.version = 14 : i64} {
  func.func @_sc_segment_sum(%arg0: i32, %arg1: i32, %arg2: memref<320000x128xf32, #tpu.memory_space<hbm>>, %arg3: memref<320000xi32, #tpu.memory_space<hbm>>, %arg4: memref<64x128xf32, #tpu.memory_space<hbm>>, %arg5: memref<2x5120x128xf32, #tpu.memory_space<hbm>>, %arg6: memref<80x128xf32, #tpu.memory_space<vmem>>, %arg7: memref<80xi32, #tpu.memory_space<vmem>>, %arg8: memref<80xi32, #tpu.memory_space<vmem>>, %arg9: memref<5128x128xf32, #tpu.memory_space<vmem_shared>>) attributes {dimension_semantics = [#tpu.dimension_semantics<core_parallel>, #tpu.dimension_semantics<subcore_parallel>], iteration_bounds = array<i64: 2, 16>, scalar_prefetch = 0 : i64, scratch_operands = 4 : i64, tpu.core_type = #tpu.core_type<sc_vector_subcore>, window_params = [{transform_indices = #map}, {transform_indices = #map1}, {transform_indices = #map}, {transform_indices = #map2}]} {
    %mul3A = arith.constant 20000 : i32
    %mul3A_0 = arith.muli %arg1, %mul3A : i32
    %mul3A_1 = arith.constant 320 : i32
    %mul3A_2 = arith.muli %arg1, %mul3A_1 : i32
    %add3A = arith.constant 0 : i32
    %add3A_3 = arith.addi %mul3A_2, %add3A : i32
    "tpu.region"() ({
      %run_scoped3A = tpu.sem_alloc : memref<!tpu.dma_semaphore, #tpu.memory_space<semaphore_mem>>
      %dma_start3A = arith.constant 0 : i32
      %dma_start3A_29 = tpu.memref_slice %arg9[%add3A_3, %dma_start3A] : memref<5128x128xf32, #tpu.memory_space<vmem_shared>> -> memref<64x128xf32, #tpu.memory_space<vmem_shared>>
      tpu.enqueue_dma source(%arg4 : memref<64x128xf32, #tpu.memory_space<hbm>>) target(%dma_start3A_29 : memref<64x128xf32, #tpu.memory_space<vmem_shared>>) target_semaphore(%run_scoped3A : memref<!tpu.dma_semaphore, #tpu.memory_space<semaphore_mem>>)
      %dma_wait3A = arith.constant 0 : i32
      %dma_wait3A_30 = tpu.memref_slice %arg9[%add3A_3, %dma_wait3A] : memref<5128x128xf32, #tpu.memory_space<vmem_shared>> -> memref<64x128xf32, #tpu.memory_space<vmem_shared>>
      tpu.wait_dma2 semaphore(%run_scoped3A : memref<!tpu.dma_semaphore, #tpu.memory_space<semaphore_mem>>) src(%arg4 : memref<64x128xf32, #tpu.memory_space<hbm>>) dst(%dma_wait3A_30 : memref<64x128xf32, #tpu.memory_space<vmem_shared>>)
      tpu.yield
    }) : () -> ()
    %mul3A_4 = arith.constant 320 : i32
    %mul3A_5 = arith.muli %arg1, %mul3A_4 : i32
    %add3A_6 = arith.constant 64 : i32
    %add3A_7 = arith.addi %mul3A_5, %add3A_6 : i32
    "tpu.region"() ({
      %run_scoped3A = tpu.sem_alloc : memref<!tpu.dma_semaphore, #tpu.memory_space<semaphore_mem>>
      %dma_start3A = arith.constant 0 : i32
      %dma_start3A_29 = tpu.memref_slice %arg9[%add3A_7, %dma_start3A] : memref<5128x128xf32, #tpu.memory_space<vmem_shared>> -> memref<64x128xf32, #tpu.memory_space<vmem_shared>>
      tpu.enqueue_dma source(%arg4 : memref<64x128xf32, #tpu.memory_space<hbm>>) target(%dma_start3A_29 : memref<64x128xf32, #tpu.memory_space<vmem_shared>>) target_semaphore(%run_scoped3A : memref<!tpu.dma_semaphore, #tpu.memory_space<semaphore_mem>>)
      %dma_wait3A = arith.constant 0 : i32
      %dma_wait3A_30 = tpu.memref_slice %arg9[%add3A_7, %dma_wait3A] : memref<5128x128xf32, #tpu.memory_space<vmem_shared>> -> memref<64x128xf32, #tpu.memory_space<vmem_shared>>
      tpu.wait_dma2 semaphore(%run_scoped3A : memref<!tpu.dma_semaphore, #tpu.memory_space<semaphore_mem>>) src(%arg4 : memref<64x128xf32, #tpu.memory_space<hbm>>) dst(%dma_wait3A_30 : memref<64x128xf32, #tpu.memory_space<vmem_shared>>)
      tpu.yield
    }) : () -> ()
    %mul3A_8 = arith.constant 320 : i32
    %mul3A_9 = arith.muli %arg1, %mul3A_8 : i32
    %add3A_10 = arith.constant 128 : i32
    %add3A_11 = arith.addi %mul3A_9, %add3A_10 : i32
    "tpu.region"() ({
      %run_scoped3A = tpu.sem_alloc : memref<!tpu.dma_semaphore, #tpu.memory_space<semaphore_mem>>
      %dma_start3A = arith.constant 0 : i32
      %dma_start3A_29 = tpu.memref_slice %arg9[%add3A_11, %dma_start3A] : memref<5128x128xf32, #tpu.memory_space<vmem_shared>> -> memref<64x128xf32, #tpu.memory_space<vmem_shared>>
      tpu.enqueue_dma source(%arg4 : memref<64x128xf32, #tpu.memory_space<hbm>>) target(%dma_start3A_29 : memref<64x128xf32, #tpu.memory_space<vmem_shared>>) target_semaphore(%run_scoped3A : memref<!tpu.dma_semaphore, #tpu.memory_space<semaphore_mem>>)
      %dma_wait3A = arith.constant 0 : i32
      %dma_wait3A_30 = tpu.memref_slice %arg9[%add3A_11, %dma_wait3A] : memref<5128x128xf32, #tpu.memory_space<vmem_shared>> -> memref<64x128xf32, #tpu.memory_space<vmem_shared>>
      tpu.wait_dma2 semaphore(%run_scoped3A : memref<!tpu.dma_semaphore, #tpu.memory_space<semaphore_mem>>) src(%arg4 : memref<64x128xf32, #tpu.memory_space<hbm>>) dst(%dma_wait3A_30 : memref<64x128xf32, #tpu.memory_space<vmem_shared>>)
      tpu.yield
    }) : () -> ()
    %mul3A_12 = arith.constant 320 : i32
    %mul3A_13 = arith.muli %arg1, %mul3A_12 : i32
    %add3A_14 = arith.constant 192 : i32
    %add3A_15 = arith.addi %mul3A_13, %add3A_14 : i32
    "tpu.region"() ({
      %run_scoped3A = tpu.sem_alloc : memref<!tpu.dma_semaphore, #tpu.memory_space<semaphore_mem>>
      %dma_start3A = arith.constant 0 : i32
      %dma_start3A_29 = tpu.memref_slice %arg9[%add3A_15, %dma_start3A] : memref<5128x128xf32, #tpu.memory_space<vmem_shared>> -> memref<64x128xf32, #tpu.memory_space<vmem_shared>>
      tpu.enqueue_dma source(%arg4 : memref<64x128xf32, #tpu.memory_space<hbm>>) target(%dma_start3A_29 : memref<64x128xf32, #tpu.memory_space<vmem_shared>>) target_semaphore(%run_scoped3A : memref<!tpu.dma_semaphore, #tpu.memory_space<semaphore_mem>>)
      %dma_wait3A = arith.constant 0 : i32
      %dma_wait3A_30 = tpu.memref_slice %arg9[%add3A_15, %dma_wait3A] : memref<5128x128xf32, #tpu.memory_space<vmem_shared>> -> memref<64x128xf32, #tpu.memory_space<vmem_shared>>
      tpu.wait_dma2 semaphore(%run_scoped3A : memref<!tpu.dma_semaphore, #tpu.memory_space<semaphore_mem>>) src(%arg4 : memref<64x128xf32, #tpu.memory_space<hbm>>) dst(%dma_wait3A_30 : memref<64x128xf32, #tpu.memory_space<vmem_shared>>)
      tpu.yield
    }) : () -> ()
    %mul3A_16 = arith.constant 320 : i32
    %mul3A_17 = arith.muli %arg1, %mul3A_16 : i32
    %add3A_18 = arith.constant 256 : i32
    %add3A_19 = arith.addi %mul3A_17, %add3A_18 : i32
    "tpu.region"() ({
      %run_scoped3A = tpu.sem_alloc : memref<!tpu.dma_semaphore, #tpu.memory_space<semaphore_mem>>
      %dma_start3A = arith.constant 0 : i32
      %dma_start3A_29 = tpu.memref_slice %arg9[%add3A_19, %dma_start3A] : memref<5128x128xf32, #tpu.memory_space<vmem_shared>> -> memref<64x128xf32, #tpu.memory_space<vmem_shared>>
      tpu.enqueue_dma source(%arg4 : memref<64x128xf32, #tpu.memory_space<hbm>>) target(%dma_start3A_29 : memref<64x128xf32, #tpu.memory_space<vmem_shared>>) target_semaphore(%run_scoped3A : memref<!tpu.dma_semaphore, #tpu.memory_space<semaphore_mem>>)
      %dma_wait3A = arith.constant 0 : i32
      %dma_wait3A_30 = tpu.memref_slice %arg9[%add3A_19, %dma_wait3A] : memref<5128x128xf32, #tpu.memory_space<vmem_shared>> -> memref<64x128xf32, #tpu.memory_space<vmem_shared>>
      tpu.wait_dma2 semaphore(%run_scoped3A : memref<!tpu.dma_semaphore, #tpu.memory_space<semaphore_mem>>) src(%arg4 : memref<64x128xf32, #tpu.memory_space<hbm>>) dst(%dma_wait3A_30 : memref<64x128xf32, #tpu.memory_space<vmem_shared>>)
      tpu.yield
    }) : () -> ()
    %barrier3A = arith.constant 0 : index
    tpu.barrier barrier_id(%barrier3A)
    %scan3A = arith.constant 0 : i32
    %scan3A_20 = arith.constant 0 : i32
    %scan3A_21 = arith.constant 250 : i32
    %scan3A_22 = arith.addi %scan3A_20, %scan3A_21 : i32
    %scan3A_23 = arith.constant 1 : i32
    %scan3A_24 = scf.for %scan3A_29 = %scan3A_20 to %scan3A_22 step %scan3A_23 iter_args(%scan3A_30 = %scan3A) -> (i32)  : i32 {
      %mul3A_31 = arith.constant 80 : i32
      %mul3A_32 = arith.muli %scan3A_29, %mul3A_31 : i32
      %add3A_33 = arith.addi %mul3A_0, %mul3A_32 : i32
      "tpu.region"() ({
        %run_scoped3A = tpu.sem_alloc : memref<!tpu.dma_semaphore, #tpu.memory_space<semaphore_mem>>
        %dma_start3A = tpu.memref_slice %arg3[%add3A_33] : memref<320000xi32, #tpu.memory_space<hbm>> -> memref<80xi32, #tpu.memory_space<hbm>>
        %dma_start3A_126 = tpu.memref_slice %arg3[%add3A_33] : memref<320000xi32, #tpu.memory_space<hbm>> -> memref<80xi32, #tpu.memory_space<hbm>>
        tpu.enqueue_dma source(%dma_start3A_126 : memref<80xi32, #tpu.memory_space<hbm>>) target(%arg7 : memref<80xi32, #tpu.memory_space<vmem>>) target_semaphore(%run_scoped3A : memref<!tpu.dma_semaphore, #tpu.memory_space<semaphore_mem>>)
        %dma_wait3A = tpu.memref_slice %arg3[%add3A_33] : memref<320000xi32, #tpu.memory_space<hbm>> -> memref<80xi32, #tpu.memory_space<hbm>>
        %dma_wait3A_127 = tpu.memref_slice %arg3[%add3A_33] : memref<320000xi32, #tpu.memory_space<hbm>> -> memref<80xi32, #tpu.memory_space<hbm>>
        tpu.wait_dma2 semaphore(%run_scoped3A : memref<!tpu.dma_semaphore, #tpu.memory_space<semaphore_mem>>) src(%dma_wait3A_127 : memref<80xi32, #tpu.memory_space<hbm>>) dst(%arg7 : memref<80xi32, #tpu.memory_space<vmem>>)
        tpu.yield
      }) : () -> ()
      %mul3A_34 = arith.constant 80 : i32
      %mul3A_35 = arith.muli %scan3A_29, %mul3A_34 : i32
      %add3A_36 = arith.addi %mul3A_0, %mul3A_35 : i32
      "tpu.region"() ({
        %run_scoped3A = tpu.sem_alloc : memref<!tpu.dma_semaphore, #tpu.memory_space<semaphore_mem>>
        %dma_start3A = arith.constant 0 : i32
        %dma_start3A_126 = tpu.memref_slice %arg2[%add3A_36, %dma_start3A] : memref<320000x128xf32, #tpu.memory_space<hbm>> -> memref<80x128xf32, #tpu.memory_space<hbm>>
        %dma_start3A_127 = arith.constant 0 : i32
        %dma_start3A_128 = tpu.memref_slice %arg2[%add3A_36, %dma_start3A_127] : memref<320000x128xf32, #tpu.memory_space<hbm>> -> memref<80x128xf32, #tpu.memory_space<hbm>>
        tpu.enqueue_dma source(%dma_start3A_128 : memref<80x128xf32, #tpu.memory_space<hbm>>) target(%arg6 : memref<80x128xf32, #tpu.memory_space<vmem>>) target_semaphore(%run_scoped3A : memref<!tpu.dma_semaphore, #tpu.memory_space<semaphore_mem>>)
        %dma_wait3A = arith.constant 0 : i32
        %dma_wait3A_129 = tpu.memref_slice %arg2[%add3A_36, %dma_wait3A] : memref<320000x128xf32, #tpu.memory_space<hbm>> -> memref<80x128xf32, #tpu.memory_space<hbm>>
        %dma_wait3A_130 = arith.constant 0 : i32
        %dma_wait3A_131 = tpu.memref_slice %arg2[%add3A_36, %dma_wait3A_130] : memref<320000x128xf32, #tpu.memory_space<hbm>> -> memref<80x128xf32, #tpu.memory_space<hbm>>
        tpu.wait_dma2 semaphore(%run_scoped3A : memref<!tpu.dma_semaphore, #tpu.memory_space<semaphore_mem>>) src(%dma_wait3A_131 : memref<80x128xf32, #tpu.memory_space<hbm>>) dst(%arg6 : memref<80x128xf32, #tpu.memory_space<vmem>>)
        tpu.yield
      }) : () -> ()
      %mul3A_37 = arith.constant 5120 : i32
      %mul3A_38 = arith.muli %arg0, %mul3A_37 : i32
      %get3A = arith.constant 0 : index
      %get3A_39 = tpu.vector_load %arg7[%get3A] {strides = array<i32>} : memref<80xi32, #tpu.memory_space<vmem>>, vector<16xi32>,
      %get3A_40 = vector.shape_cast %get3A_39 : vector<16xi32> to vector<16xi32>
      %sub3A = vector.broadcast %mul3A_38 : i32 to vector<16xi32>
      %sub3A_41 = arith.subi %get3A_40, %sub3A : vector<16xi32>
      %ge3A = arith.constant 0 : i32
      %ge3A_42 = vector.broadcast %ge3A : i32 to vector<16xi32>
      %ge3A_43 = arith.cmpi sge, %sub3A_41, %ge3A_42 : vector<16xi32>
      %lt3A = arith.constant 5120 : i32
      %lt3A_44 = vector.broadcast %lt3A : i32 to vector<16xi32>
      %lt3A_45 = arith.cmpi slt, %sub3A_41, %lt3A_44 : vector<16xi32>
      %and3A = arith.andi %ge3A_43, %lt3A_45 : vector<16xi1>
      %jit3A = arith.constant 5120 : i32
      %broadcast_in_dim3A = vector.broadcast %jit3A : i32 to vector<16xi32>
      %select_n3A = arith.select %and3A, %sub3A_41, %broadcast_in_dim3A : vector<16xi1>, vector<16xi32>
      %swap3A = arith.constant 0 : index
      %swap3A_46 = tpu.vector_load %arg8[%swap3A] {strides = array<i32>} : memref<80xi32, #tpu.memory_space<vmem>>, vector<16xi32>,
      %swap3A_47 = vector.shape_cast %swap3A_46 : vector<16xi32> to vector<16xi32>
      %swap3A_48 = vector.shape_cast %select_n3A : vector<16xi32> to vector<16xi32>
      tpu.vector_store %arg8[%swap3A], %swap3A_48 {strides = array<i32>} : memref<80xi32, #tpu.memory_space<vmem>>, vector<16xi32>,
      %get3A_49 = arith.constant 16 : index
      %get3A_50 = tpu.vector_load %arg7[%get3A_49] {strides = array<i32>} : memref<80xi32, #tpu.memory_space<vmem>>, vector<16xi32>,
      %get3A_51 = vector.shape_cast %get3A_50 : vector<16xi32> to vector<16xi32>
      %sub3A_52 = vector.broadcast %mul3A_38 : i32 to vector<16xi32>
      %sub3A_53 = arith.subi %get3A_51, %sub3A_52 : vector<16xi32>
      %ge3A_54 = arith.constant 0 : i32
      %ge3A_55 = vector.broadcast %ge3A_54 : i32 to vector<16xi32>
      %ge3A_56 = arith.cmpi sge, %sub3A_53, %ge3A_55 : vector<16xi32>
      %lt3A_57 = arith.constant 5120 : i32
      %lt3A_58 = vector.broadcast %lt3A_57 : i32 to vector<16xi32>
      %lt3A_59 = arith.cmpi slt, %sub3A_53, %lt3A_58 : vector<16xi32>
      %and3A_60 = arith.andi %ge3A_56, %lt3A_59 : vector<16xi1>
      %jit3A_61 = arith.constant 5120 : i32
      %broadcast_in_dim3A_62 = vector.broadcast %jit3A_61 : i32 to vector<16xi32>
      %select_n3A_63 = arith.select %and3A_60, %sub3A_53, %broadcast_in_dim3A_62 : vector<16xi1>, vector<16xi32>
      %swap3A_64 = arith.constant 16 : index
      %swap3A_65 = tpu.vector_load %arg8[%swap3A_64] {strides = array<i32>} : memref<80xi32, #tpu.memory_space<vmem>>, vector<16xi32>,
      %swap3A_66 = vector.shape_cast %swap3A_65 : vector<16xi32> to vector<16xi32>
      %swap3A_67 = vector.shape_cast %select_n3A_63 : vector<16xi32> to vector<16xi32>
      tpu.vector_store %arg8[%swap3A_64], %swap3A_67 {strides = array<i32>} : memref<80xi32, #tpu.memory_space<vmem>>, vector<16xi32>,
      %get3A_68 = arith.constant 32 : index
      %get3A_69 = tpu.vector_load %arg7[%get3A_68] {strides = array<i32>} : memref<80xi32, #tpu.memory_space<vmem>>, vector<16xi32>,
      %get3A_70 = vector.shape_cast %get3A_69 : vector<16xi32> to vector<16xi32>
      %sub3A_71 = vector.broadcast %mul3A_38 : i32 to vector<16xi32>
      %sub3A_72 = arith.subi %get3A_70, %sub3A_71 : vector<16xi32>
      %ge3A_73 = arith.constant 0 : i32
      %ge3A_74 = vector.broadcast %ge3A_73 : i32 to vector<16xi32>
      %ge3A_75 = arith.cmpi sge, %sub3A_72, %ge3A_74 : vector<16xi32>
      %lt3A_76 = arith.constant 5120 : i32
      %lt3A_77 = vector.broadcast %lt3A_76 : i32 to vector<16xi32>
      %lt3A_78 = arith.cmpi slt, %sub3A_72, %lt3A_77 : vector<16xi32>
      %and3A_79 = arith.andi %ge3A_75, %lt3A_78 : vector<16xi1>
      %jit3A_80 = arith.constant 5120 : i32
      %broadcast_in_dim3A_81 = vector.broadcast %jit3A_80 : i32 to vector<16xi32>
      %select_n3A_82 = arith.select %and3A_79, %sub3A_72, %broadcast_in_dim3A_81 : vector<16xi1>, vector<16xi32>
      %swap3A_83 = arith.constant 32 : index
      %swap3A_84 = tpu.vector_load %arg8[%swap3A_83] {strides = array<i32>} : memref<80xi32, #tpu.memory_space<vmem>>, vector<16xi32>,
      %swap3A_85 = vector.shape_cast %swap3A_84 : vector<16xi32> to vector<16xi32>
      %swap3A_86 = vector.shape_cast %select_n3A_82 : vector<16xi32> to vector<16xi32>
      tpu.vector_store %arg8[%swap3A_83], %swap3A_86 {strides = array<i32>} : memref<80xi32, #tpu.memory_space<vmem>>, vector<16xi32>,
      %get3A_87 = arith.constant 48 : index
      %get3A_88 = tpu.vector_load %arg7[%get3A_87] {strides = array<i32>} : memref<80xi32, #tpu.memory_space<vmem>>, vector<16xi32>,
      %get3A_89 = vector.shape_cast %get3A_88 : vector<16xi32> to vector<16xi32>
      %sub3A_90 = vector.broadcast %mul3A_38 : i32 to vector<16xi32>
      %sub3A_91 = arith.subi %get3A_89, %sub3A_90 : vector<16xi32>
      %ge3A_92 = arith.constant 0 : i32
      %ge3A_93 = vector.broadcast %ge3A_92 : i32 to vector<16xi32>
      %ge3A_94 = arith.cmpi sge, %sub3A_91, %ge3A_93 : vector<16xi32>
      %lt3A_95 = arith.constant 5120 : i32
      %lt3A_96 = vector.broadcast %lt3A_95 : i32 to vector<16xi32>
      %lt3A_97 = arith.cmpi slt, %sub3A_91, %lt3A_96 : vector<16xi32>
      %and3A_98 = arith.andi %ge3A_94, %lt3A_97 : vector<16xi1>
      %jit3A_99 = arith.constant 5120 : i32
      %broadcast_in_dim3A_100 = vector.broadcast %jit3A_99 : i32 to vector<16xi32>
      %select_n3A_101 = arith.select %and3A_98, %sub3A_91, %broadcast_in_dim3A_100 : vector<16xi1>, vector<16xi32>
      %swap3A_102 = arith.constant 48 : index
      %swap3A_103 = tpu.vector_load %arg8[%swap3A_102] {strides = array<i32>} : memref<80xi32, #tpu.memory_space<vmem>>, vector<16xi32>,
      %swap3A_104 = vector.shape_cast %swap3A_103 : vector<16xi32> to vector<16xi32>
      %swap3A_105 = vector.shape_cast %select_n3A_101 : vector<16xi32> to vector<16xi32>
      tpu.vector_store %arg8[%swap3A_102], %swap3A_105 {strides = array<i32>} : memref<80xi32, #tpu.memory_space<vmem>>, vector<16xi32>,
      %get3A_106 = arith.constant 64 : index
      %get3A_107 = tpu.vector_load %arg7[%get3A_106] {strides = array<i32>} : memref<80xi32, #tpu.memory_space<vmem>>, vector<16xi32>,
      %get3A_108 = vector.shape_cast %get3A_107 : vector<16xi32> to vector<16xi32>
      %sub3A_109 = vector.broadcast %mul3A_38 : i32 to vector<16xi32>
      %sub3A_110 = arith.subi %get3A_108, %sub3A_109 : vector<16xi32>
      %ge3A_111 = arith.constant 0 : i32
      %ge3A_112 = vector.broadcast %ge3A_111 : i32 to vector<16xi32>
      %ge3A_113 = arith.cmpi sge, %sub3A_110, %ge3A_112 : vector<16xi32>
      %lt3A_114 = arith.constant 5120 : i32
      %lt3A_115 = vector.broadcast %lt3A_114 : i32 to vector<16xi32>
      %lt3A_116 = arith.cmpi slt, %sub3A_110, %lt3A_115 : vector<16xi32>
      %and3A_117 = arith.andi %ge3A_113, %lt3A_116 : vector<16xi1>
      %jit3A_118 = arith.constant 5120 : i32
      %broadcast_in_dim3A_119 = vector.broadcast %jit3A_118 : i32 to vector<16xi32>
      %select_n3A_120 = arith.select %and3A_117, %sub3A_110, %broadcast_in_dim3A_119 : vector<16xi1>, vector<16xi32>
      %swap3A_121 = arith.constant 64 : index
      %swap3A_122 = tpu.vector_load %arg8[%swap3A_121] {strides = array<i32>} : memref<80xi32, #tpu.memory_space<vmem>>, vector<16xi32>,
      %swap3A_123 = vector.shape_cast %swap3A_122 : vector<16xi32> to vector<16xi32>
      %swap3A_124 = vector.shape_cast %select_n3A_120 : vector<16xi32> to vector<16xi32>
      tpu.vector_store %arg8[%swap3A_121], %swap3A_124 {strides = array<i32>} : memref<80xi32, #tpu.memory_space<vmem>>, vector<16xi32>,
      "tpu.region"() ({
        %run_scoped3A = tpu.sem_alloc : memref<!tpu.dma_semaphore, #tpu.memory_space<semaphore_mem>>
        %dma_start3A = arith.constant 0 : i32
        %dma_start3A_126 = arith.constant 0 : i32
        %dma_start3A_127 = tpu.memref_slice %arg9[%dma_start3A, %dma_start3A_126] : memref<5128x128xf32, #tpu.memory_space<vmem_shared>> -> memref<5128x128xf32, #tpu.memory_space<vmem_shared>>
        tpu.enqueue_indirect_dma source(%arg6 : memref<80x128xf32, #tpu.memory_space<vmem>>) target(%dma_start3A_127 : memref<5128x128xf32, #tpu.memory_space<vmem_shared>>) offsets(%arg8 : memref<80xi32, #tpu.memory_space<vmem>>) semaphore(%run_scoped3A : memref<!tpu.dma_semaphore, #tpu.memory_space<semaphore_mem>>) {add = true}
        %dma_wait3A = arith.constant 0 : i32
        %dma_wait3A_128 = arith.constant 0 : i32
        %dma_wait3A_129 = tpu.memref_slice %arg9[%dma_wait3A, %dma_wait3A_128] : memref<5128x128xf32, #tpu.memory_space<vmem_shared>> -> memref<5128x128xf32, #tpu.memory_space<vmem_shared>>
        tpu.wait_indirect_dma semaphore(%run_scoped3A : memref<!tpu.dma_semaphore, #tpu.memory_space<semaphore_mem>>) src(%arg6 : memref<80x128xf32, #tpu.memory_space<vmem>>) dst(%dma_wait3A_129 : memref<5128x128xf32, #tpu.memory_space<vmem_shared>>)
        tpu.yield
      }) : () -> ()
      %scan3A_125 = arith.constant 0 : i32
      scf.yield %scan3A_125 : i32
    }
    %scan3A_25 = arith.constant 250 : i32
    %barrier3A_26 = arith.constant 0 : index
    tpu.barrier barrier_id(%barrier3A_26)
    %mul3A_27 = arith.constant 320 : i32
    %mul3A_28 = arith.muli %arg1, %mul3A_27 : i32
    "tpu.region"() ({
      %run_scoped3A = tpu.sem_alloc : memref<!tpu.dma_semaphore, #tpu.memory_space<semaphore_mem>>
      %dma_start3A = arith.constant 0 : i32
      %dma_start3A_29 = tpu.memref_slice %arg5[%arg0, %mul3A_28, %dma_start3A] : memref<2x5120x128xf32, #tpu.memory_space<hbm>> -> memref<1x320x128xf32, #tpu.memory_space<hbm>>
      %dma_start3A_30 = tpu.memref_squeeze %dma_start3A_29 : memref<1x320x128xf32, #tpu.memory_space<hbm>> -> memref<320x128xf32, #tpu.memory_space<hbm>>
      %dma_start3A_31 = arith.constant 0 : i32
      %dma_start3A_32 = tpu.memref_slice %arg9[%mul3A_28, %dma_start3A_31] : memref<5128x128xf32, #tpu.memory_space<vmem_shared>> -> memref<320x128xf32, #tpu.memory_space<vmem_shared>>
      tpu.enqueue_dma source(%dma_start3A_32 : memref<320x128xf32, #tpu.memory_space<vmem_shared>>) target(%dma_start3A_30 : memref<320x128xf32, #tpu.memory_space<hbm>>) target_semaphore(%run_scoped3A : memref<!tpu.dma_semaphore, #tpu.memory_space<semaphore_mem>>)
      %dma_wait3A = arith.constant 0 : i32
      %dma_wait3A_33 = tpu.memref_slice %arg5[%arg0, %mul3A_28, %dma_wait3A] : memref<2x5120x128xf32, #tpu.memory_space<hbm>> -> memref<1x320x128xf32, #tpu.memory_space<hbm>>
      %dma_wait3A_34 = tpu.memref_squeeze %dma_wait3A_33 : memref<1x320x128xf32, #tpu.memory_space<hbm>> -> memref<320x128xf32, #tpu.memory_space<hbm>>
      %dma_wait3A_35 = arith.constant 0 : i32
      %dma_wait3A_36 = tpu.memref_slice %arg9[%mul3A_28, %dma_wait3A_35] : memref<5128x128xf32, #tpu.memory_space<vmem_shared>> -> memref<320x128xf32, #tpu.memory_space<vmem_shared>>
      tpu.wait_dma2 semaphore(%run_scoped3A : memref<!tpu.dma_semaphore, #tpu.memory_space<semaphore_mem>>) src(%dma_wait3A_36 : memref<320x128xf32, #tpu.memory_space<vmem_shared>>) dst(%dma_wait3A_34 : memref<320x128xf32, #tpu.memory_space<hbm>>)
      tpu.yield
    }) : () -> ()
    return
  }
}

#map = affine_map<(d0, d1) -> (0)>
#map1 = affine_map<(d0, d1) -> (0, 0)>
#map2 = affine_map<(d0, d1) -> (0, 0, 0)>
module attributes {stable_mosaic.version = 14 : i64} {
  func.func @_sc_segment_count(%arg0: i32, %arg1: i32, %arg2: memref<320000xi32, #tpu.memory_space<hbm>>, %arg3: memref<64x128xf32, #tpu.memory_space<hbm>>, %arg4: memref<80x128xf32, #tpu.memory_space<hbm>>, %arg5: memref<2x5120x128xf32, #tpu.memory_space<hbm>>, %arg6: memref<80x128xf32, #tpu.memory_space<vmem>>, %arg7: memref<80xi32, #tpu.memory_space<vmem>>, %arg8: memref<80xi32, #tpu.memory_space<vmem>>, %arg9: memref<5128x128xf32, #tpu.memory_space<vmem_shared>>) attributes {dimension_semantics = [#tpu.dimension_semantics<core_parallel>, #tpu.dimension_semantics<subcore_parallel>], iteration_bounds = array<i64: 2, 16>, scalar_prefetch = 0 : i64, scratch_operands = 4 : i64, tpu.core_type = #tpu.core_type<sc_vector_subcore>, window_params = [{transform_indices = #map}, {transform_indices = #map1}, {transform_indices = #map1}, {transform_indices = #map2}]} {
    %mul3A = arith.constant 20000 : i32
    %mul3A_0 = arith.muli %arg1, %mul3A : i32
    "tpu.region"() ({
      %run_scoped3A = tpu.sem_alloc : memref<!tpu.dma_semaphore, #tpu.memory_space<semaphore_mem>>
      tpu.enqueue_dma source(%arg4 : memref<80x128xf32, #tpu.memory_space<hbm>>) target(%arg6 : memref<80x128xf32, #tpu.memory_space<vmem>>) target_semaphore(%run_scoped3A : memref<!tpu.dma_semaphore, #tpu.memory_space<semaphore_mem>>)
      tpu.wait_dma2 semaphore(%run_scoped3A : memref<!tpu.dma_semaphore, #tpu.memory_space<semaphore_mem>>) src(%arg4 : memref<80x128xf32, #tpu.memory_space<hbm>>) dst(%arg6 : memref<80x128xf32, #tpu.memory_space<vmem>>)
      tpu.yield
    }) : () -> ()
    %mul3A_1 = arith.constant 320 : i32
    %mul3A_2 = arith.muli %arg1, %mul3A_1 : i32
    %add3A = arith.constant 0 : i32
    %add3A_3 = arith.addi %mul3A_2, %add3A : i32
    "tpu.region"() ({
      %run_scoped3A = tpu.sem_alloc : memref<!tpu.dma_semaphore, #tpu.memory_space<semaphore_mem>>
      %dma_start3A = arith.constant 0 : i32
      %dma_start3A_29 = tpu.memref_slice %arg9[%add3A_3, %dma_start3A] : memref<5128x128xf32, #tpu.memory_space<vmem_shared>> -> memref<64x128xf32, #tpu.memory_space<vmem_shared>>
      tpu.enqueue_dma source(%arg3 : memref<64x128xf32, #tpu.memory_space<hbm>>) target(%dma_start3A_29 : memref<64x128xf32, #tpu.memory_space<vmem_shared>>) target_semaphore(%run_scoped3A : memref<!tpu.dma_semaphore, #tpu.memory_space<semaphore_mem>>)
      %dma_wait3A = arith.constant 0 : i32
      %dma_wait3A_30 = tpu.memref_slice %arg9[%add3A_3, %dma_wait3A] : memref<5128x128xf32, #tpu.memory_space<vmem_shared>> -> memref<64x128xf32, #tpu.memory_space<vmem_shared>>
      tpu.wait_dma2 semaphore(%run_scoped3A : memref<!tpu.dma_semaphore, #tpu.memory_space<semaphore_mem>>) src(%arg3 : memref<64x128xf32, #tpu.memory_space<hbm>>) dst(%dma_wait3A_30 : memref<64x128xf32, #tpu.memory_space<vmem_shared>>)
      tpu.yield
    }) : () -> ()
    %mul3A_4 = arith.constant 320 : i32
    %mul3A_5 = arith.muli %arg1, %mul3A_4 : i32
    %add3A_6 = arith.constant 64 : i32
    %add3A_7 = arith.addi %mul3A_5, %add3A_6 : i32
    "tpu.region"() ({
      %run_scoped3A = tpu.sem_alloc : memref<!tpu.dma_semaphore, #tpu.memory_space<semaphore_mem>>
      %dma_start3A = arith.constant 0 : i32
      %dma_start3A_29 = tpu.memref_slice %arg9[%add3A_7, %dma_start3A] : memref<5128x128xf32, #tpu.memory_space<vmem_shared>> -> memref<64x128xf32, #tpu.memory_space<vmem_shared>>
      tpu.enqueue_dma source(%arg3 : memref<64x128xf32, #tpu.memory_space<hbm>>) target(%dma_start3A_29 : memref<64x128xf32, #tpu.memory_space<vmem_shared>>) target_semaphore(%run_scoped3A : memref<!tpu.dma_semaphore, #tpu.memory_space<semaphore_mem>>)
      %dma_wait3A = arith.constant 0 : i32
      %dma_wait3A_30 = tpu.memref_slice %arg9[%add3A_7, %dma_wait3A] : memref<5128x128xf32, #tpu.memory_space<vmem_shared>> -> memref<64x128xf32, #tpu.memory_space<vmem_shared>>
      tpu.wait_dma2 semaphore(%run_scoped3A : memref<!tpu.dma_semaphore, #tpu.memory_space<semaphore_mem>>) src(%arg3 : memref<64x128xf32, #tpu.memory_space<hbm>>) dst(%dma_wait3A_30 : memref<64x128xf32, #tpu.memory_space<vmem_shared>>)
      tpu.yield
    }) : () -> ()
    %mul3A_8 = arith.constant 320 : i32
    %mul3A_9 = arith.muli %arg1, %mul3A_8 : i32
    %add3A_10 = arith.constant 128 : i32
    %add3A_11 = arith.addi %mul3A_9, %add3A_10 : i32
    "tpu.region"() ({
      %run_scoped3A = tpu.sem_alloc : memref<!tpu.dma_semaphore, #tpu.memory_space<semaphore_mem>>
      %dma_start3A = arith.constant 0 : i32
      %dma_start3A_29 = tpu.memref_slice %arg9[%add3A_11, %dma_start3A] : memref<5128x128xf32, #tpu.memory_space<vmem_shared>> -> memref<64x128xf32, #tpu.memory_space<vmem_shared>>
      tpu.enqueue_dma source(%arg3 : memref<64x128xf32, #tpu.memory_space<hbm>>) target(%dma_start3A_29 : memref<64x128xf32, #tpu.memory_space<vmem_shared>>) target_semaphore(%run_scoped3A : memref<!tpu.dma_semaphore, #tpu.memory_space<semaphore_mem>>)
      %dma_wait3A = arith.constant 0 : i32
      %dma_wait3A_30 = tpu.memref_slice %arg9[%add3A_11, %dma_wait3A] : memref<5128x128xf32, #tpu.memory_space<vmem_shared>> -> memref<64x128xf32, #tpu.memory_space<vmem_shared>>
      tpu.wait_dma2 semaphore(%run_scoped3A : memref<!tpu.dma_semaphore, #tpu.memory_space<semaphore_mem>>) src(%arg3 : memref<64x128xf32, #tpu.memory_space<hbm>>) dst(%dma_wait3A_30 : memref<64x128xf32, #tpu.memory_space<vmem_shared>>)
      tpu.yield
    }) : () -> ()
    %mul3A_12 = arith.constant 320 : i32
    %mul3A_13 = arith.muli %arg1, %mul3A_12 : i32
    %add3A_14 = arith.constant 192 : i32
    %add3A_15 = arith.addi %mul3A_13, %add3A_14 : i32
    "tpu.region"() ({
      %run_scoped3A = tpu.sem_alloc : memref<!tpu.dma_semaphore, #tpu.memory_space<semaphore_mem>>
      %dma_start3A = arith.constant 0 : i32
      %dma_start3A_29 = tpu.memref_slice %arg9[%add3A_15, %dma_start3A] : memref<5128x128xf32, #tpu.memory_space<vmem_shared>> -> memref<64x128xf32, #tpu.memory_space<vmem_shared>>
      tpu.enqueue_dma source(%arg3 : memref<64x128xf32, #tpu.memory_space<hbm>>) target(%dma_start3A_29 : memref<64x128xf32, #tpu.memory_space<vmem_shared>>) target_semaphore(%run_scoped3A : memref<!tpu.dma_semaphore, #tpu.memory_space<semaphore_mem>>)
      %dma_wait3A = arith.constant 0 : i32
      %dma_wait3A_30 = tpu.memref_slice %arg9[%add3A_15, %dma_wait3A] : memref<5128x128xf32, #tpu.memory_space<vmem_shared>> -> memref<64x128xf32, #tpu.memory_space<vmem_shared>>
      tpu.wait_dma2 semaphore(%run_scoped3A : memref<!tpu.dma_semaphore, #tpu.memory_space<semaphore_mem>>) src(%arg3 : memref<64x128xf32, #tpu.memory_space<hbm>>) dst(%dma_wait3A_30 : memref<64x128xf32, #tpu.memory_space<vmem_shared>>)
      tpu.yield
    }) : () -> ()
    %mul3A_16 = arith.constant 320 : i32
    %mul3A_17 = arith.muli %arg1, %mul3A_16 : i32
    %add3A_18 = arith.constant 256 : i32
    %add3A_19 = arith.addi %mul3A_17, %add3A_18 : i32
    "tpu.region"() ({
      %run_scoped3A = tpu.sem_alloc : memref<!tpu.dma_semaphore, #tpu.memory_space<semaphore_mem>>
      %dma_start3A = arith.constant 0 : i32
      %dma_start3A_29 = tpu.memref_slice %arg9[%add3A_19, %dma_start3A] : memref<5128x128xf32, #tpu.memory_space<vmem_shared>> -> memref<64x128xf32, #tpu.memory_space<vmem_shared>>
      tpu.enqueue_dma source(%arg3 : memref<64x128xf32, #tpu.memory_space<hbm>>) target(%dma_start3A_29 : memref<64x128xf32, #tpu.memory_space<vmem_shared>>) target_semaphore(%run_scoped3A : memref<!tpu.dma_semaphore, #tpu.memory_space<semaphore_mem>>)
      %dma_wait3A = arith.constant 0 : i32
      %dma_wait3A_30 = tpu.memref_slice %arg9[%add3A_19, %dma_wait3A] : memref<5128x128xf32, #tpu.memory_space<vmem_shared>> -> memref<64x128xf32, #tpu.memory_space<vmem_shared>>
      tpu.wait_dma2 semaphore(%run_scoped3A : memref<!tpu.dma_semaphore, #tpu.memory_space<semaphore_mem>>) src(%arg3 : memref<64x128xf32, #tpu.memory_space<hbm>>) dst(%dma_wait3A_30 : memref<64x128xf32, #tpu.memory_space<vmem_shared>>)
      tpu.yield
    }) : () -> ()
    %barrier3A = arith.constant 0 : index
    tpu.barrier barrier_id(%barrier3A)
    %scan3A = arith.constant 0 : i32
    %scan3A_20 = arith.constant 0 : i32
    %scan3A_21 = arith.constant 250 : i32
    %scan3A_22 = arith.addi %scan3A_20, %scan3A_21 : i32
    %scan3A_23 = arith.constant 1 : i32
    %scan3A_24 = scf.for %scan3A_29 = %scan3A_20 to %scan3A_22 step %scan3A_23 iter_args(%scan3A_30 = %scan3A) -> (i32)  : i32 {
      %mul3A_31 = arith.constant 80 : i32
      %mul3A_32 = arith.muli %scan3A_29, %mul3A_31 : i32
      %add3A_33 = arith.addi %mul3A_0, %mul3A_32 : i32
      "tpu.region"() ({
        %run_scoped3A = tpu.sem_alloc : memref<!tpu.dma_semaphore, #tpu.memory_space<semaphore_mem>>
        %dma_start3A = tpu.memref_slice %arg2[%add3A_33] : memref<320000xi32, #tpu.memory_space<hbm>> -> memref<80xi32, #tpu.memory_space<hbm>>
        %dma_start3A_123 = tpu.memref_slice %arg2[%add3A_33] : memref<320000xi32, #tpu.memory_space<hbm>> -> memref<80xi32, #tpu.memory_space<hbm>>
        tpu.enqueue_dma source(%dma_start3A_123 : memref<80xi32, #tpu.memory_space<hbm>>) target(%arg7 : memref<80xi32, #tpu.memory_space<vmem>>) target_semaphore(%run_scoped3A : memref<!tpu.dma_semaphore, #tpu.memory_space<semaphore_mem>>)
        %dma_wait3A = tpu.memref_slice %arg2[%add3A_33] : memref<320000xi32, #tpu.memory_space<hbm>> -> memref<80xi32, #tpu.memory_space<hbm>>
        %dma_wait3A_124 = tpu.memref_slice %arg2[%add3A_33] : memref<320000xi32, #tpu.memory_space<hbm>> -> memref<80xi32, #tpu.memory_space<hbm>>
        tpu.wait_dma2 semaphore(%run_scoped3A : memref<!tpu.dma_semaphore, #tpu.memory_space<semaphore_mem>>) src(%dma_wait3A_124 : memref<80xi32, #tpu.memory_space<hbm>>) dst(%arg7 : memref<80xi32, #tpu.memory_space<vmem>>)
        tpu.yield
      }) : () -> ()
      %mul3A_34 = arith.constant 5120 : i32
      %mul3A_35 = arith.muli %arg0, %mul3A_34 : i32
      %get3A = arith.constant 0 : index
      %get3A_36 = tpu.vector_load %arg7[%get3A] {strides = array<i32>} : memref<80xi32, #tpu.memory_space<vmem>>, vector<16xi32>,
      %get3A_37 = vector.shape_cast %get3A_36 : vector<16xi32> to vector<16xi32>
      %sub3A = vector.broadcast %mul3A_35 : i32 to vector<16xi32>
      %sub3A_38 = arith.subi %get3A_37, %sub3A : vector<16xi32>
      %ge3A = arith.constant 0 : i32
      %ge3A_39 = vector.broadcast %ge3A : i32 to vector<16xi32>
      %ge3A_40 = arith.cmpi sge, %sub3A_38, %ge3A_39 : vector<16xi32>
      %lt3A = arith.constant 5120 : i32
      %lt3A_41 = vector.broadcast %lt3A : i32 to vector<16xi32>
      %lt3A_42 = arith.cmpi slt, %sub3A_38, %lt3A_41 : vector<16xi32>
      %and3A = arith.andi %ge3A_40, %lt3A_42 : vector<16xi1>
      %jit3A = arith.constant 5120 : i32
      %broadcast_in_dim3A = vector.broadcast %jit3A : i32 to vector<16xi32>
      %select_n3A = arith.select %and3A, %sub3A_38, %broadcast_in_dim3A : vector<16xi1>, vector<16xi32>
      %swap3A = arith.constant 0 : index
      %swap3A_43 = tpu.vector_load %arg8[%swap3A] {strides = array<i32>} : memref<80xi32, #tpu.memory_space<vmem>>, vector<16xi32>,
      %swap3A_44 = vector.shape_cast %swap3A_43 : vector<16xi32> to vector<16xi32>
      %swap3A_45 = vector.shape_cast %select_n3A : vector<16xi32> to vector<16xi32>
      tpu.vector_store %arg8[%swap3A], %swap3A_45 {strides = array<i32>} : memref<80xi32, #tpu.memory_space<vmem>>, vector<16xi32>,
      %get3A_46 = arith.constant 16 : index
      %get3A_47 = tpu.vector_load %arg7[%get3A_46] {strides = array<i32>} : memref<80xi32, #tpu.memory_space<vmem>>, vector<16xi32>,
      %get3A_48 = vector.shape_cast %get3A_47 : vector<16xi32> to vector<16xi32>
      %sub3A_49 = vector.broadcast %mul3A_35 : i32 to vector<16xi32>
      %sub3A_50 = arith.subi %get3A_48, %sub3A_49 : vector<16xi32>
      %ge3A_51 = arith.constant 0 : i32
      %ge3A_52 = vector.broadcast %ge3A_51 : i32 to vector<16xi32>
      %ge3A_53 = arith.cmpi sge, %sub3A_50, %ge3A_52 : vector<16xi32>
      %lt3A_54 = arith.constant 5120 : i32
      %lt3A_55 = vector.broadcast %lt3A_54 : i32 to vector<16xi32>
      %lt3A_56 = arith.cmpi slt, %sub3A_50, %lt3A_55 : vector<16xi32>
      %and3A_57 = arith.andi %ge3A_53, %lt3A_56 : vector<16xi1>
      %jit3A_58 = arith.constant 5120 : i32
      %broadcast_in_dim3A_59 = vector.broadcast %jit3A_58 : i32 to vector<16xi32>
      %select_n3A_60 = arith.select %and3A_57, %sub3A_50, %broadcast_in_dim3A_59 : vector<16xi1>, vector<16xi32>
      %swap3A_61 = arith.constant 16 : index
      %swap3A_62 = tpu.vector_load %arg8[%swap3A_61] {strides = array<i32>} : memref<80xi32, #tpu.memory_space<vmem>>, vector<16xi32>,
      %swap3A_63 = vector.shape_cast %swap3A_62 : vector<16xi32> to vector<16xi32>
      %swap3A_64 = vector.shape_cast %select_n3A_60 : vector<16xi32> to vector<16xi32>
      tpu.vector_store %arg8[%swap3A_61], %swap3A_64 {strides = array<i32>} : memref<80xi32, #tpu.memory_space<vmem>>, vector<16xi32>,
      %get3A_65 = arith.constant 32 : index
      %get3A_66 = tpu.vector_load %arg7[%get3A_65] {strides = array<i32>} : memref<80xi32, #tpu.memory_space<vmem>>, vector<16xi32>,
      %get3A_67 = vector.shape_cast %get3A_66 : vector<16xi32> to vector<16xi32>
      %sub3A_68 = vector.broadcast %mul3A_35 : i32 to vector<16xi32>
      %sub3A_69 = arith.subi %get3A_67, %sub3A_68 : vector<16xi32>
      %ge3A_70 = arith.constant 0 : i32
      %ge3A_71 = vector.broadcast %ge3A_70 : i32 to vector<16xi32>
      %ge3A_72 = arith.cmpi sge, %sub3A_69, %ge3A_71 : vector<16xi32>
      %lt3A_73 = arith.constant 5120 : i32
      %lt3A_74 = vector.broadcast %lt3A_73 : i32 to vector<16xi32>
      %lt3A_75 = arith.cmpi slt, %sub3A_69, %lt3A_74 : vector<16xi32>
      %and3A_76 = arith.andi %ge3A_72, %lt3A_75 : vector<16xi1>
      %jit3A_77 = arith.constant 5120 : i32
      %broadcast_in_dim3A_78 = vector.broadcast %jit3A_77 : i32 to vector<16xi32>
      %select_n3A_79 = arith.select %and3A_76, %sub3A_69, %broadcast_in_dim3A_78 : vector<16xi1>, vector<16xi32>
      %swap3A_80 = arith.constant 32 : index
      %swap3A_81 = tpu.vector_load %arg8[%swap3A_80] {strides = array<i32>} : memref<80xi32, #tpu.memory_space<vmem>>, vector<16xi32>,
      %swap3A_82 = vector.shape_cast %swap3A_81 : vector<16xi32> to vector<16xi32>
      %swap3A_83 = vector.shape_cast %select_n3A_79 : vector<16xi32> to vector<16xi32>
      tpu.vector_store %arg8[%swap3A_80], %swap3A_83 {strides = array<i32>} : memref<80xi32, #tpu.memory_space<vmem>>, vector<16xi32>,
      %get3A_84 = arith.constant 48 : index
      %get3A_85 = tpu.vector_load %arg7[%get3A_84] {strides = array<i32>} : memref<80xi32, #tpu.memory_space<vmem>>, vector<16xi32>,
      %get3A_86 = vector.shape_cast %get3A_85 : vector<16xi32> to vector<16xi32>
      %sub3A_87 = vector.broadcast %mul3A_35 : i32 to vector<16xi32>
      %sub3A_88 = arith.subi %get3A_86, %sub3A_87 : vector<16xi32>
      %ge3A_89 = arith.constant 0 : i32
      %ge3A_90 = vector.broadcast %ge3A_89 : i32 to vector<16xi32>
      %ge3A_91 = arith.cmpi sge, %sub3A_88, %ge3A_90 : vector<16xi32>
      %lt3A_92 = arith.constant 5120 : i32
      %lt3A_93 = vector.broadcast %lt3A_92 : i32 to vector<16xi32>
      %lt3A_94 = arith.cmpi slt, %sub3A_88, %lt3A_93 : vector<16xi32>
      %and3A_95 = arith.andi %ge3A_91, %lt3A_94 : vector<16xi1>
      %jit3A_96 = arith.constant 5120 : i32
      %broadcast_in_dim3A_97 = vector.broadcast %jit3A_96 : i32 to vector<16xi32>
      %select_n3A_98 = arith.select %and3A_95, %sub3A_88, %broadcast_in_dim3A_97 : vector<16xi1>, vector<16xi32>
      %swap3A_99 = arith.constant 48 : index
      %swap3A_100 = tpu.vector_load %arg8[%swap3A_99] {strides = array<i32>} : memref<80xi32, #tpu.memory_space<vmem>>, vector<16xi32>,
      %swap3A_101 = vector.shape_cast %swap3A_100 : vector<16xi32> to vector<16xi32>
      %swap3A_102 = vector.shape_cast %select_n3A_98 : vector<16xi32> to vector<16xi32>
      tpu.vector_store %arg8[%swap3A_99], %swap3A_102 {strides = array<i32>} : memref<80xi32, #tpu.memory_space<vmem>>, vector<16xi32>,
      %get3A_103 = arith.constant 64 : index
      %get3A_104 = tpu.vector_load %arg7[%get3A_103] {strides = array<i32>} : memref<80xi32, #tpu.memory_space<vmem>>, vector<16xi32>,
      %get3A_105 = vector.shape_cast %get3A_104 : vector<16xi32> to vector<16xi32>
      %sub3A_106 = vector.broadcast %mul3A_35 : i32 to vector<16xi32>
      %sub3A_107 = arith.subi %get3A_105, %sub3A_106 : vector<16xi32>
      %ge3A_108 = arith.constant 0 : i32
      %ge3A_109 = vector.broadcast %ge3A_108 : i32 to vector<16xi32>
      %ge3A_110 = arith.cmpi sge, %sub3A_107, %ge3A_109 : vector<16xi32>
      %lt3A_111 = arith.constant 5120 : i32
      %lt3A_112 = vector.broadcast %lt3A_111 : i32 to vector<16xi32>
      %lt3A_113 = arith.cmpi slt, %sub3A_107, %lt3A_112 : vector<16xi32>
      %and3A_114 = arith.andi %ge3A_110, %lt3A_113 : vector<16xi1>
      %jit3A_115 = arith.constant 5120 : i32
      %broadcast_in_dim3A_116 = vector.broadcast %jit3A_115 : i32 to vector<16xi32>
      %select_n3A_117 = arith.select %and3A_114, %sub3A_107, %broadcast_in_dim3A_116 : vector<16xi1>, vector<16xi32>
      %swap3A_118 = arith.constant 64 : index
      %swap3A_119 = tpu.vector_load %arg8[%swap3A_118] {strides = array<i32>} : memref<80xi32, #tpu.memory_space<vmem>>, vector<16xi32>,
      %swap3A_120 = vector.shape_cast %swap3A_119 : vector<16xi32> to vector<16xi32>
      %swap3A_121 = vector.shape_cast %select_n3A_117 : vector<16xi32> to vector<16xi32>
      tpu.vector_store %arg8[%swap3A_118], %swap3A_121 {strides = array<i32>} : memref<80xi32, #tpu.memory_space<vmem>>, vector<16xi32>,
      "tpu.region"() ({
        %run_scoped3A = tpu.sem_alloc : memref<!tpu.dma_semaphore, #tpu.memory_space<semaphore_mem>>
        %dma_start3A = arith.constant 0 : i32
        %dma_start3A_123 = arith.constant 0 : i32
        %dma_start3A_124 = tpu.memref_slice %arg9[%dma_start3A, %dma_start3A_123] : memref<5128x128xf32, #tpu.memory_space<vmem_shared>> -> memref<5128x128xf32, #tpu.memory_space<vmem_shared>>
        tpu.enqueue_indirect_dma source(%arg6 : memref<80x128xf32, #tpu.memory_space<vmem>>) target(%dma_start3A_124 : memref<5128x128xf32, #tpu.memory_space<vmem_shared>>) offsets(%arg8 : memref<80xi32, #tpu.memory_space<vmem>>) semaphore(%run_scoped3A : memref<!tpu.dma_semaphore, #tpu.memory_space<semaphore_mem>>) {add = true}
        %dma_wait3A = arith.constant 0 : i32
        %dma_wait3A_125 = arith.constant 0 : i32
        %dma_wait3A_126 = tpu.memref_slice %arg9[%dma_wait3A, %dma_wait3A_125] : memref<5128x128xf32, #tpu.memory_space<vmem_shared>> -> memref<5128x128xf32, #tpu.memory_space<vmem_shared>>
        tpu.wait_indirect_dma semaphore(%run_scoped3A : memref<!tpu.dma_semaphore, #tpu.memory_space<semaphore_mem>>) src(%arg6 : memref<80x128xf32, #tpu.memory_space<vmem>>) dst(%dma_wait3A_126 : memref<5128x128xf32, #tpu.memory_space<vmem_shared>>)
        tpu.yield
      }) : () -> ()
      %scan3A_122 = arith.constant 0 : i32
      scf.yield %scan3A_122 : i32
    }
    %scan3A_25 = arith.constant 250 : i32
    %barrier3A_26 = arith.constant 0 : index
    tpu.barrier barrier_id(%barrier3A_26)
    %mul3A_27 = arith.constant 320 : i32
    %mul3A_28 = arith.muli %arg1, %mul3A_27 : i32
    "tpu.region"() ({
      %run_scoped3A = tpu.sem_alloc : memref<!tpu.dma_semaphore, #tpu.memory_space<semaphore_mem>>
      %dma_start3A = arith.constant 0 : i32
      %dma_start3A_29 = tpu.memref_slice %arg5[%arg0, %mul3A_28, %dma_start3A] : memref<2x5120x128xf32, #tpu.memory_space<hbm>> -> memref<1x320x128xf32, #tpu.memory_space<hbm>>
      %dma_start3A_30 = tpu.memref_squeeze %dma_start3A_29 : memref<1x320x128xf32, #tpu.memory_space<hbm>> -> memref<320x128xf32, #tpu.memory_space<hbm>>
      %dma_start3A_31 = arith.constant 0 : i32
      %dma_start3A_32 = tpu.memref_slice %arg9[%mul3A_28, %dma_start3A_31] : memref<5128x128xf32, #tpu.memory_space<vmem_shared>> -> memref<320x128xf32, #tpu.memory_space<vmem_shared>>
      tpu.enqueue_dma source(%dma_start3A_32 : memref<320x128xf32, #tpu.memory_space<vmem_shared>>) target(%dma_start3A_30 : memref<320x128xf32, #tpu.memory_space<hbm>>) target_semaphore(%run_scoped3A : memref<!tpu.dma_semaphore, #tpu.memory_space<semaphore_mem>>)
      %dma_wait3A = arith.constant 0 : i32
      %dma_wait3A_33 = tpu.memref_slice %arg5[%arg0, %mul3A_28, %dma_wait3A] : memref<2x5120x128xf32, #tpu.memory_space<hbm>> -> memref<1x320x128xf32, #tpu.memory_space<hbm>>
      %dma_wait3A_34 = tpu.memref_squeeze %dma_wait3A_33 : memref<1x320x128xf32, #tpu.memory_space<hbm>> -> memref<320x128xf32, #tpu.memory_space<hbm>>
      %dma_wait3A_35 = arith.constant 0 : i32
      %dma_wait3A_36 = tpu.memref_slice %arg9[%mul3A_28, %dma_wait3A_35] : memref<5128x128xf32, #tpu.memory_space<vmem_shared>> -> memref<320x128xf32, #tpu.memory_space<vmem_shared>>
      tpu.wait_dma2 semaphore(%run_scoped3A : memref<!tpu.dma_semaphore, #tpu.memory_space<semaphore_mem>>) src(%dma_wait3A_36 : memref<320x128xf32, #tpu.memory_space<vmem_shared>>) dst(%dma_wait3A_34 : memref<320x128xf32, #tpu.memory_space<hbm>>)
      tpu.yield
    }) : () -> ()
    return
  }
}

module attributes {stable_mosaic.version = 14 : i64} {
  func.func @_finish_body(%arg0: memref<2x5120x128xf32, #tpu.memory_space<vmem>>, %arg1: memref<2x5120x128xf32, #tpu.memory_space<vmem>>, %arg2: memref<128x10xf32, #tpu.memory_space<vmem>>, %arg3: memref<1x10xf32, #tpu.memory_space<vmem>>, %arg4: memref<10240x10xf32, #tpu.memory_space<vmem>>) attributes {dimension_semantics = [], scalar_prefetch = 0 : i64, scratch_operands = 0 : i64, tpu.core_type = #tpu.core_type<tc>} {
    %get3A = arith.constant 0 : index
    %get3A_0 = arith.constant 0 : index
    %get3A_1 = arith.constant 0 : index
    %get3A_2 = vector.load %arg0[%get3A, %get3A_0, %get3A_1] : memref<2x5120x128xf32, #tpu.memory_space<vmem>>, vector<1x5120x128xf32>
    %get3A_3 = vector.shape_cast %get3A_2 : vector<1x5120x128xf32> to vector<5120x128xf32>
    %get3A_4 = arith.constant 1 : index
    %get3A_5 = arith.constant 0 : index
    %get3A_6 = arith.constant 0 : index
    %get3A_7 = vector.load %arg0[%get3A_4, %get3A_5, %get3A_6] : memref<2x5120x128xf32, #tpu.memory_space<vmem>>, vector<1x5120x128xf32>
    %get3A_8 = vector.shape_cast %get3A_7 : vector<1x5120x128xf32> to vector<5120x128xf32>
    %concatenate3A = tpu.concatenate %get3A_3, %get3A_8 in 0 : vector<5120x128xf32>, vector<5120x128xf32> -> vector<10240x128xf32>
    %get3A_9 = arith.constant 0 : index
    %get3A_10 = arith.constant 0 : index
    %get3A_11 = arith.constant 0 : index
    %get3A_12 = vector.load %arg1[%get3A_9, %get3A_10, %get3A_11] : memref<2x5120x128xf32, #tpu.memory_space<vmem>>, vector<1x5120x128xf32>
    %get3A_13 = vector.shape_cast %get3A_12 : vector<1x5120x128xf32> to vector<5120x128xf32>
    %slice3A = vector.extract_strided_slice %get3A_13 {offsets = [0, 0], sizes = [5120, 1], strides = [1, 1]} : vector<5120x128xf32> to vector<5120x1xf32>
    %get3A_14 = arith.constant 1 : index
    %get3A_15 = arith.constant 0 : index
    %get3A_16 = arith.constant 0 : index
    %get3A_17 = vector.load %arg1[%get3A_14, %get3A_15, %get3A_16] : memref<2x5120x128xf32, #tpu.memory_space<vmem>>, vector<1x5120x128xf32>
    %get3A_18 = vector.shape_cast %get3A_17 : vector<1x5120x128xf32> to vector<5120x128xf32>
    %slice3A_19 = vector.extract_strided_slice %get3A_18 {offsets = [0, 0], sizes = [5120, 1], strides = [1, 1]} : vector<5120x128xf32> to vector<5120x1xf32>
    %concatenate3A_20 = tpu.concatenate %slice3A, %slice3A_19 in 0 : vector<5120x1xf32>, vector<5120x1xf32> -> vector<10240x1xf32>
    %max3A = arith.constant 1.000000e+00 : f32
    %max3A_21 = vector.broadcast %max3A : f32 to vector<10240x1xf32>
    %max3A_22 = arith.maximumf %concatenate3A_20, %max3A_21 : vector<10240x1xf32>
    %div3A = arith.constant 1.000000e+00 : f32
    %div3A_23 = vector.broadcast %div3A : f32 to vector<10240x1xf32>
    %div3A_24 = arith.divf %div3A_23, %max3A_22 : vector<10240x1xf32>
    %mul3A = vector.broadcast %div3A_24 : vector<10240x1xf32> to vector<10240x128xf32>
    %mul3A_25 = arith.mulf %concatenate3A, %mul3A : vector<10240x128xf32>
    %get3A_26 = arith.constant 0 : index
    %get3A_27 = arith.constant 0 : index
    %get3A_28 = vector.load %arg2[%get3A_26, %get3A_27] : memref<128x10xf32, #tpu.memory_space<vmem>>, vector<128x10xf32>
    %dot_general3A = arith.constant dense<0.000000e+00> : vector<10240x10xf32>
    %dot_general3A_29 = tpu.matmul %mul3A_25, %get3A_28, %dot_general3A {dimension_numbers = #tpu.dot_dimension_numbers<[1], [0], [0], [1], [0, 0, 1, 1], [], []>, transpose_lhs_hint = false} : vector<10240x128xf32>, vector<128x10xf32>, vector<10240x10xf32> -> vector<10240x10xf32>
    %get3A_30 = arith.constant 0 : index
    %get3A_31 = arith.constant 0 : index
    %get3A_32 = vector.load %arg3[%get3A_30, %get3A_31] : memref<1x10xf32, #tpu.memory_space<vmem>>, vector<1x10xf32>
    %add3A = vector.broadcast %get3A_32 : vector<1x10xf32> to vector<10240x10xf32>
    %add3A_33 = arith.addf %dot_general3A_29, %add3A : vector<10240x10xf32>
    %swap3A = arith.constant 0 : index
    %swap3A_34 = arith.constant 0 : index
    %swap3A_35 = vector.load %arg4[%swap3A, %swap3A_34] : memref<10240x10xf32, #tpu.memory_space<vmem>>, vector<10240x10xf32>
    tpu.vector_store %arg4[%swap3A, %swap3A_34], %add3A_33 {strides = array<i32>} : memref<10240x10xf32, #tpu.memory_space<vmem>>, vector<10240x10xf32>,
    return
  }
}

</mosaic_0001>

<sc_bundles>
// kernel: kernel.5.cloned.1.call-start
scs
__scs_entry_jumppad:
0x0: {  	(pc) =	sbr.rel $0x88, $3  }
0x1: {  	(tag) =	ssettag $0x0;
	lr =	simm.s32 $0x1  }
0x2: {  	[smem:$0x3F9D] =	sst lr;
	_ =	strace $0xD0000000  }
0x3: {  	_ = 	snop  }
0x4: {  	_ = 	snop  }
0x5: {  	_ = 	snop  }
0x6: {  	_ = 	snop  }
0x7: {  	_ = 	snop  }
__scs_overlays_trampoline_lowered:
0x8: {  	[smem:$0x3FAC] =	sst s0  }
0x9: {  	[smem:$0x3FAD] =	sst s1  }
0xa: {  	[smem:$0x3FAE] =	sst s2  }
0xb: {  	[smem:$0x3FAF] =	sst s3  }
0xc: {  	[smem:$0x3FB0] =	sst s4  }
0xd: {  	[smem:$0x3FB1] =	sst s5  }
0xe: {  	[smem:$0x3FB2] =	sst s6  }
0xf: {  	[smem:$0x3FB3] =	sst s7  }
0x10: {  	[smem:$0x3FB4] =	sst s8  }
0x11: {  	[smem:$0x3FB5] =	sst s9;
	s0 =	simm.s32 @!p0 $0x0  }
0x12: {  	s1 =	sld [smem:$0x3F9B];
	s0 =	simm.s32 @p0 $0x1  }
0x13: {  	[smem:$0x3FB6] =	sst s0;
	s0 =	simm.s32 @!p1 $0x0  }
0x14: {  	s2 =	sld [smem:$0x3F9A];
	s0 =	simm.s32 @p1 $0x1  }
0x15: {  	[smem:$0x3FB7] =	sst s0;
	s0 =	simm.s32 @!p2 $0x0  }
0x16: {  	s3 =	sld [smem:$0x3FDB];
	s0 =	simm.s32 @p2 $0x1  }
0x17: {  	s4 =	simm.s32 $0x1BF5;
	[smem:$0x3FB9] =	sst s0  }
0x18: {  	s0 =	sld [smem:$0x3F9C];
	_ =	swait.ge [sflag:s4], $0x0  }
0x19: {  	s7 =	sld [smem:$0x3F9D]  }
0x1a: {  	s8 =	sadd.s32 $0xFFFFE003, lr  }
0x1b: {  	s9 =	sadd.s32 $0xFFFFFEF7, lr;
	s5 =	simm.s32 $0xFFFFFFFF;
	p2 =	slt.u32 s8, $0xFFFFF086  }
0x1c: {  	p1 =	slt.u32 s9, $0xF7A;
	s5 =	simm.s32 @!p2 $0x0  }
0x1d: {  	s5 =	simm.s32 @p1 $0x1;
	p0 =	seq.s32 s7, s2  }
0x1e: {  	s7 =	smul.u32 @!p0 $0xF7A, s2;
	p2 =	seq.s32 @!p0 s5, $0x0  }
0x1f: {  	s9 =	smul.u32 $0xF7A, s1;
	s8 =	simm.s32 @!p0 $0x1BF5;
	p2 =	por !p2, p0  }
0x20: {  	[sflag:s8] =	ssyncset.s32 @!p0 $0xFFFFF086;
	s6 =	sadd.s32 @!p0 s3, s7;
	s7 =	simm.s32 @!p0 $0x108  }
0x21: {  	s3 =	sadd.s32 s3, s9;
	s6 =	sadd.s32 @!p0 $0x88, s6;
	s7 =	simm.s32 @p2 $0x1082  }
0x22: {  	[simem:s7], [sflag:s8] =	dma.local @!p0 [hbm:s6], $0xF7A  }
0x23: {  	s9 =	sor.u32 $0xD0000000, s2;
	s6 =	simm.s32 $0x108;
	_ =	swait.ge @!p0 [sflag:s8], $0x0  }
0x24: {  	s3 =	sadd.s32 $0x88, s3;
	s6 =	simm.s32 @!p1 $0x1082;
	[sflag:s4] =	ssyncset.s32 $0xFFFFF086  }
0x25: {  	[simem:s6], [sflag:s4] =	dma.local [hbm:s3], $0xF7A  }
0x26: {  	[smem:$0x3F9D] =	sst s1;
	(tag) =	ssettag s2;
	_ =	strace s9  }
0x27: {  	s1 =	sld [smem:$0x3FAD]  }
0x28: {  	s2 =	sld [smem:$0x3FAE]  }
0x29: {  	s4 =	sld [smem:$0x3FB0]  }
0x2a: {  	p0 =	seq.s32 s5, $0x0;
	s5 =	sld [smem:$0x3FB1]  }
0x2b: {  	s6 =	sld [smem:$0x3FB2]  }
0x2c: {  	s7 =	sld [smem:$0x3FB3]  }
0x2d: {  	s3 =	simm.s32 $0x108;
	s8 =	sld [smem:$0x3FB4]  }
0x2e: {  	s3 =	simm.s32 @!p0 $0x1082;
	s9 =	sld [smem:$0x3FB5]  }
0x2f: {  	lr =	sadd.s32 s0, s3;
	s0 =	sld [smem:$0x3FAC]  }
0x30: {  	s3 =	sld [smem:$0x3FAF]  }
0x31: {  	[smem:$0x3FB8] =	sst s10  }
0x32: {  	s10 =	sld [smem:$0x3FB6];
	_ =	sdelay $0x3  }
0x33: {  	p0 =	seq.s32 s10, $0x1;
	s10 =	sld [smem:$0x3FB8];
	_ =	sdelay $0x3  }
0x34: {  	[smem:$0x3FB8] =	sst s10  }
0x35: {  	s10 =	sld [smem:$0x3FB7];
	_ =	sdelay $0x3  }
0x36: {  	p1 =	seq.s32 s10, $0x1;
	s10 =	sld [smem:$0x3FB8];
	_ =	sdelay $0x3  }
0x37: {  	[smem:$0x3FB8] =	sst s10  }
0x38: {  	s10 =	sld [smem:$0x3FB9]  }
0x39: {  	_ = 	snop;
	(pc) =	sbr.ind lr, $3  }
0x3a: {  	_ = 	snop  }
0x3b: {  	_ = 	snop  }
0x3c: {  	p2 =	seq.s32 s10, $0x1;
	s10 =	sld [smem:$0x3FB8]  }
0x3d: {  	_ =	shalt  }
0x3e: {  	_ =	shalt  }
0x3f: {  	_ =	shalt  }
0x40: {  	_ =	shalt  }
0x41: {  	_ =	shalt  }
0x42: {  	_ =	shalt  }
0x43: {  	_ =	shalt  }
0x44: {  	_ =	shalt  }
0x45: {  	_ =	shalt  }
0x46: {  	_ =	shalt  }
0x47: {  	_ =	shalt  }
0x48: {  	_ =	shalt  }
0x49: {  	_ =	shalt  }
0x4a: {  	_ =	shalt  }
0x4b: {  	_ =	shalt  }
0x4c: {  	_ =	shalt  }
0x4d: {  	_ =	shalt  }
0x4e: {  	_ =	shalt  }
0x4f: {  	_ =	shalt  }
0x50: {  	_ =	shalt  }
0x51: {  	_ =	shalt  }
0x52: {  	_ =	shalt  }
0x53: {  	_ =	shalt  }
0x54: {  	_ =	shalt  }
0x55: {  	_ =	shalt  }
0x56: {  	_ =	shalt  }
0x57: {  	_ =	shalt  }
0x58: {  	_ =	shalt  }
0x59: {  	_ =	shalt  }
0x5a: {  	_ =	shalt  }
0x5b: {  	_ =	shalt  }
0x5c: {  	_ =	shalt  }
0x5d: {  	_ =	shalt  }
0x5e: {  	_ =	shalt  }
0x5f: {  	_ =	shalt  }
0x60: {  	_ =	shalt  }
0x61: {  	_ =	shalt  }
0x62: {  	_ =	shalt  }
0x63: {  	_ =	shalt  }
0x64: {  	_ =	shalt  }
0x65: {  	_ =	shalt  }
0x66: {  	_ =	shalt  }
0x67: {  	_ =	shalt  }
0x68: {  	_ =	shalt  }
0x69: {  	_ =	shalt  }
0x6a: {  	_ =	shalt  }
0x6b: {  	_ =	shalt  }
0x6c: {  	_ =	shalt  }
0x6d: {  	_ =	shalt  }
0x6e: {  	_ =	shalt  }
0x6f: {  	_ =	shalt  }
0x70: {  	_ =	shalt  }
0x71: {  	_ =	shalt  }
0x72: {  	_ =	shalt  }
0x73: {  	_ =	shalt  }
0x74: {  	_ =	shalt  }
0x75: {  	_ =	shalt  }
0x76: {  	_ =	shalt  }
0x77: {  	_ =	shalt  }
0x78: {  	_ =	shalt  }
0x79: {  	_ =	shalt  }
0x7a: {  	_ =	shalt  }
0x7b: {  	_ =	shalt  }
0x7c: {  	_ =	shalt  }
0x7d: {  	_ =	shalt  }
0x7e: {  	_ =	shalt  }
0x7f: {  	_ =	shalt  }
0x80: {  	_ =	shalt  }
0x81: {  	_ =	shalt  }
0x82: {  	_ =	shalt  }
0x83: {  	_ =	shalt  }
0x84: {  	_ =	shalt  }
0x85: {  	_ =	shalt  }
0x86: {  	_ =	shalt  }
0x87: {  	_ =	shalt  }
.Lfunc_end0:
.L_simem_size_0:
called_computation_lowered:
.L_overlay_start_0:
0x88: {  	s2 =	sld [smem:$0x3FD9]  }
0x89: {  	s3 =	sld [smem:$0x3FFE];
	_ =	sdelay $0x1  }
0x8a: {  	s1 =	srdreg.scid  }
0x8b: {  	s0 =	sand.u32 $0x1, s1  }
0x8c: {  	s17 =	sshll.u32 s0, $0xA;
	s2 =	sadd.s32 s3, s2  }
0x8d: {  	s2 =	sadd.s32 s2, s17  }
0x8e: {  	[smem:$0x3FC4] =	sst s2  }
0x8f: {  	_ = 	snop  }
0x90: {  	s18 =	sld [smem:$0x3FC9]  }
0x91: {  	s4 =	sld [smem:$0x3FC8];
	(tm) =	ssettm $0x1  }
0x92: {  	s19 =	sld [smem:$0x3FFB];
	_ =	sdelay $0x3  }
0x93: {  	_ =	strace s19  }
0x94: {  	s2 =	sld [smem:$0x3FFC];
	_ =	sdelay $0x3  }
0x95: {  	_ =	strace s2  }
0x96: {  	s2 =	sld [smem:$0x3FFD];
	_ =	sdelay $0x3  }
0x97: {  	_ =	strace s2  }
0x98: {  	_ =	strace $0x8FFFFFFF  }
0x99: {  	s20 =	sld [smem:$0x3FDB];
	_ =	sdelay $0x1  }
0x9a: {  	s5 =	simm.s32 $_scs_section_size  }
0x9b: {  	s6 =	simm.s32 $_size__tile_overlayer_lowered;
	s7 =	simm.s32 $_tile_overlayer_lowered  }
0x9c: {  	s8 =	simm.s32 $0x1BFF;
	s21 =	sshll.u32 s7, $0x1;
	s5 =	sadd.s32 s5, s20  }
0x9d: {  	s22 =	simm.s32 $0x0;
	s6 =	sshll.u32 s6, $0x1;
	s7 =	sadd.s32 s21, s5  }
0x9e: {  	[timem:s22], [sflag:s8] =	dma.local [hbm:s7], s6  }
0x9f: {  	_ =	swait.ge [sflag:s8], s6  }
0xa0: {  	s6 =	ssub.s32 $0x0, s6;
	[sflag:s8] =	ssyncset.done $0x0  }
0xa1: {  	[sflag:s8] =	ssyncadd.s32 s6;
	_ =	sdelay $0x1  }
0xa2: {  	s23 =	simm.s32 $0x1B8B  }
0xa3: {  	_ =	swait.ge [sflag:s23], $0x1  }
0xa4: {  	[sflag:s23] =	ssyncset.done $0x0  }
0xa5: {  	[sflag:s23] =	ssyncadd.s32 $0xFFFFFFFF  }
0xa6: {  	s6 =	sld [smem:$0x0]  }
0xa7: {  	s7 =	sand.u32 $0xFFFFFFFE, s1  }
0xa8: {  	p0 =	sne.s32 s1, s7  }
0xa9: {  	s7 =	sshll.u32 @p0 s7, $0xE  }
0xaa: {  	s7 =	sadd.s32 @p0 $0x11B8D, s7;
	s8 =	sshll.u32 @p0 s6, $0x11  }
0xab: {  	s7 =	sor.u32 @p0 s8, s7  }
0xac: {  	[sflag:s7] =	ssyncadd.remote.s32 @p0 $0x1;
	_ =	sdelay $0x1  }
0xad: {  	s7 =	simm.s32 @p0 $0x1B8D  }
0xae: {  	_ =	swait.eq @p0 [sflag:s7], $0x1  }
0xaf: {  	[sflag:s7] =	ssyncadd.s32 @p0 $0xFFFFFFFF  }
0xb0: {  	s8 =	sshll.u32 @!p0 s1, $0xE  }
0xb1: {  	s8 =	sor.u32 @!p0 $0x4000, s8;
	s7 =	simm.s32 @!p0 $0x1B8D  }
0xb2: {  	s6 =	sshll.u32 @!p0 s6, $0x11;
	s8 =	sadd.s32 @!p0 $0x11B8D, s8;
	_ =	swait.eq @!p0 [sflag:s7], $0x1  }
0xb3: {  	s6 =	sor.u32 @!p0 s6, s8;
	[sflag:s7] =	ssyncadd.s32 @!p0 $0xFFFFFFFF  }
0xb4: {  	s25 =	simm.s32 $0x1B8E;
	s24 =	sld [smem:$0x3FFE];
	[sflag:s6] =	ssyncadd.remote.s32 @!p0 $0x1  }
0xb5: {  	s26 =	simm.s32 $execute0_lowered;
	[smem:$0x3FD2] =	sst s25  }
0xb6: {  	s7 =	sshll.u32 s26, $0x1;
	_ =	strace $0x80000049;
	[dreg:$0x1] =	wrdreg $0xFFFFFFFF  }
0xb7: {  	s28 =	simm.s32 $_size_execute0_lowered;
	s5 =	sadd.s32 s5, s7;
	[dreg:$0x0] =	wrdreg $0x0  }
0xb8: {  	s7 =	sshll.u32 s28, $0x1;
	[dreg:$0x2] =	wrdreg s5  }
0xb9: {  	[dreg:$0x3] =	wrdreg s7  }
0xba: {  	[dreg:$0x4] =	wrdreg $0xC0  }
0xbb: {  	_ =	task [dreg:s22], $0x5FFFF  }
0xbc: {  	[dreg:$0x1] =	wrdreg $0xFFFFFFFF  }
0xbd: {  	[dreg:$0x0] =	wrdreg $0x60  }
0xbe: {  	[dreg:$0x2] =	wrdreg s18  }
0xbf: {  	[dreg:$0x3] =	wrdreg s4  }
0xc0: {  	[dreg:$0x4] =	wrdreg s24  }
0xc1: {  	[dreg:$0x5] =	wrdreg $0x29000  }
0xc2: {  	[dreg:$0x6] =	wrdreg $0x9  }
0xc3: {  	_ =	task.clear_ibuf [dreg:s22], $0x7FFFF;
	_ =	strace $0x90000049  }
0xc4: {  	s29 =	simm.s32 $0x9;
	_ =	strace $0x8000004B  }
0xc5: {  	_ =	swait.ge [sflag:s29], $0x1  }
0xc6: {  	[sflag:s29] =	ssyncadd.s32 $0xFFFFFFFF  }
0xc7: {  	_ =	strace $0x9000004B  }
0xc8: {  	_ =	sfence  }
0xc9: {  	s30 =	sld [smem:$0x0];
	_ =	sdelay $0x2  }
0xca: {  	s31 =	sshll.u32 s1, $0xD;
	s1 =	sshrl.u32 s1, $0x2  }
0xcb: {  	s4 =	sand.u32 $0x4000, s31;
	s1 =	sadd.s32 s1, s30  }
0xcc: {  	s0 =	sor.u32 s4, s0;
	s1 =	sshll.u32 s1, $0x11  }
0xcd: {  	s0 =	sor.u32 s1, s0  }
0xce: {  	s0 =	sadd.s32 $0x8F2B, s0  }
0xcf: {  	[sflag:s0] =	ssyncadd.remote.s32 $0x1  }
0xd0: {  	_ =	sfence.sel $0xFFFF  }
0xd1: {  	[dreg:$0x0] =	wrdreg $0xFFFFFFFF;
	(pc) =	sbr.abs _section_cstart, $3  }
0xd2: {  	[dreg:$0x1] =	wrdreg $0xFFFFFFFF  }
0xd3: {  	_ =	task.clear_ibuf [dreg:s22], $0x2FFFF;
	_ =	strace $0x9FFFFFFF  }
0xd4: {  	(tm) =	ssettm $0x7FFFFFFF  }
0xd5: {  	_ =	shalt  }
tec
execute0_lowered:
.L_overlay_start_1:
0x0: {  	(tag) =	ssettag $0x1  }
0x1: {  	s8 =	rddreg [dreg:$0x0]  }
0x2: {  	s9 =	rddreg [dreg:$0x1]  }
0x3: {  	s0 =	srdreg.scid;
	s5 =	rddreg [dreg:$0x2]  }
0x4: {  	s2 =	rddreg [dreg:$0x3];
	s6 =	sand.u32 $0x1, s0  }
0x5: {  	s0 =	stileid.u32;
	s4 =	smul.u32 $0xA0000, s6  }
0x6: {  	s1 =	rddreg [dreg:$0x4];
	s3 =	simm.s32 $0x0;
	s7 =	smul.u32 $0xA000, s0  }
0x7: {  	[smem:$0x7FF] =	sst s3;
	s10 =	smul.u32 $0x28000, s0  }
0x8: {  	s19 =	simm.s32 $0x0;
	_ =	strace $0x8000004A;
	s14 =	smul.u32 $0x4E200, s0  }
0x9: {  	s30 =	ssub.s32 $0x2, s6;
	s12 =	sshll.u32 s0, $0x6;
	s17 =	smul.u32 $0x9C4, s0  }
0xa: {  	s18 =	smul.u32 $0x1400, s6;
	s11 =	sshrl.u32 s30, $0x1;
	s4 =	sadd.s32 s7, s4  }
0xb: {  	s10 =	sshrl.u32 s10, $0x2;
	s11 =	ssub.s32 s30, s11;
	s8 =	sadd.s32 s14, s8  }
0xc: {  	s9 =	sadd.s32 s17, s9;
	v0 =	vmov s18;
	s17 =	simm.s32 $0x50;
	s18 =	simm.s32 $0x2880  }
0xd: {  	s7 =	sshrl.u32 s4, $0x3;
	s4 =	sadd.s32 $0x1000, s5;
	s10 =	sadd.s32 s10, s2  }
0xe: {  	s7 =	sadd.s32 s7, s5;
	s5 =	sor.u32 $0x1C01, s12;
	s31 =	sadd.s32 $0x2000, s10  }
0xf: {  	s13 =	sadd.s32 $0x4000, s10;
	s15 =	sadd.s32 $0x6000, s10;
	s16 =	sadd.s32 $0x8000, s10  }
0x10: {  	s10 =	sshrl.u32 s10, $0x3;
	s6 =	sadd.s32 $0x29400, s7;
	s7 =	smax.u32 s11, $0x1  }
0x11: {  	s11 =	simm.s32 $0x1;
	s12 =	sshrl.u32 s31, $0x3;
	s13 =	sshrl.u32 s13, $0x3  }
0x12: {  	s14 =	sshrl.u32 s15, $0x3;
	s15 =	sshrl.u32 s16, $0x3;
	s16 =	simm.s32 $0x2800  }
.LBB2_1:
0x13: {  	[spmem:s10], [sflag:s5] =	dma.local [hbm:s4], $0x400  }
0x14: {  	_ =	swait.ge [sflag:s11], $0x400  }
0x15: {  	[sflag:s11] =	ssyncset.done $0x0  }
0x16: {  	[sflag:s11] =	ssyncadd.s32 $0xFFFFFC00  }
0x17: {  	[spmem:s12], [sflag:s5] =	dma.local [hbm:s4], $0x400  }
0x18: {  	_ =	swait.ge [sflag:s11], $0x400  }
0x19: {  	[sflag:s11] =	ssyncset.done $0x0  }
0x1a: {  	[sflag:s11] =	ssyncadd.s32 $0xFFFFFC00  }
0x1b: {  	[spmem:s13], [sflag:s5] =	dma.local [hbm:s4], $0x400  }
0x1c: {  	_ =	swait.ge [sflag:s11], $0x400  }
0x1d: {  	[sflag:s11] =	ssyncset.done $0x0  }
0x1e: {  	[sflag:s11] =	ssyncadd.s32 $0xFFFFFC00  }
0x1f: {  	[spmem:s14], [sflag:s5] =	dma.local [hbm:s4], $0x400  }
0x20: {  	_ =	swait.ge [sflag:s11], $0x400  }
0x21: {  	[sflag:s11] =	ssyncset.done $0x0  }
0x22: {  	[sflag:s11] =	ssyncadd.s32 $0xFFFFFC00  }
0x23: {  	[spmem:s15], [sflag:s5] =	dma.local [hbm:s4], $0x400  }
0x24: {  	_ =	swait.ge [sflag:s11], $0x400  }
0x25: {  	[sflag:s11] =	ssyncset.done $0x0  }
0x26: {  	[sflag:s11] =	ssyncadd.s32 $0xFFFFFC00  }
0x27: {  	s20 =	sadd.s32 $0x0, s9;
	[bflag:$0x0] =	sbarrier.arrive $0xFFFF  }
0x28: {  	[tilespmem:s16], [sflag:$0x1] =	stream.linear.gather [hbm4b:s20+s3], $0x50, $0x38;
	[tilespmem:$0xC940] =	vst v63  }
0x29: {  	_ =	swait.ge [sflag:s11], $0x50  }
0x2a: {  	[sflag:s11] =	ssyncset.done $0x0  }
0x2b: {  	[sflag:s11] =	ssyncadd.s32 $0xFFFFFFB0  }
0x2c: {  	[tilespmem:s3], [sflag:$0x1] =	stream.linear.gather [hbm4b:s8+s3], $0x2800, $0x38;
	[tilespmem:$0xC940] =	vst v63  }
0x2d: {  	_ =	swait.ge [sflag:s11], $0x2800  }
0x2e: {  	[sflag:s11] =	ssyncset.done $0x0  }
0x2f: {  	[sflag:s11] =	ssyncadd.s32 $0xFFFFD800  }
0x30: {  	v1 =	vld [tilespmem:$0x2840]  }
0x31: {  	v2 =	vld [tilespmem:$0x2830]  }
0x32: {  	v3 =	vld [tilespmem:$0x2820]  }
0x33: {  	v4 =	vld [tilespmem:$0x2810]  }
0x34: {  	v5 =	vld [tilespmem:$0x2800]  }
0x35: {  	v1 =	vsub.s32 v1, v0  }
0x36: {  	v2 =	vsub.s32 v2, v0;
	v1 =	vmin.u32 v1, $0x1400  }
0x37: {  	v3 =	vsub.s32 v3, v0;
	v2 =	vmin.u32 v2, $0x1400;
	[tilespmem:$0x28C0] =	vst v1  }
0x38: {  	v3 =	vmin.u32 v3, $0x1400;
	v1 =	vsub.s32 v4, v0;
	[tilespmem:$0x28B0] =	vst v2  }
0x39: {  	v2 =	vsub.s32 v5, v0;
	[tilespmem:$0x28A0] =	vst v3;
	v4 =	vmin.u32 v1, $0x1400  }
0x3a: {  	s21 =	smov.u32 s8;
	s20 =	simm.s32 $0xA;
	v1 =	vmin.u32 v2, $0x1400;
	[tilespmem:$0x2890] =	vst v4  }
.LBB2_2:
0x3b: {  	p0 =	sne.s32 s20, $0x9BA  }
0x3c: {  	[tilespmem:$0x2880] =	vst v1;
	s21 =	sadd.s32 $0x500, s21;
	s22 =	smov.u32 s20;
	s20 =	sadd.s32 $0xA, s20  }
0x3d: {  	[spmem:s2] =	stream.indirect.scatter.add.f32 [tilespmem:s3], [sflag:$0x1], $0x80, s18, s17, $0xb8;
	[tilespmem:$0xC940] =	vst v63  }
0x3e: {  	_ =	swait.ge [sflag:s11], $0x2800  }
0x3f: {  	[sflag:s11] =	ssyncset.done $0x0  }
0x40: {  	s22 =	sadd.s32 s22, s9;
	[sflag:s11] =	ssyncadd.s32 $0xFFFFD800  }
0x41: {  	[tilespmem:s16], [sflag:$0x1] =	stream.linear.gather [hbm4b:s22+s3], $0x50, $0x38;
	[tilespmem:$0xC940] =	vst v63  }
0x42: {  	_ =	swait.ge [sflag:s11], $0x50  }
0x43: {  	[sflag:s11] =	ssyncset.done $0x0  }
0x44: {  	[sflag:s11] =	ssyncadd.s32 $0xFFFFFFB0  }
0x45: {  	[tilespmem:s3], [sflag:$0x1] =	stream.linear.gather [hbm4b:s21+s3], $0x2800, $0x38;
	[tilespmem:$0xC940] =	vst v63  }
0x46: {  	_ =	swait.ge [sflag:s11], $0x2800  }
0x47: {  	[sflag:s11] =	ssyncset.done $0x0  }
0x48: {  	[sflag:s11] =	ssyncadd.s32 $0xFFFFD800  }
0x49: {  	v1 =	vld [tilespmem:$0x2840]  }
0x4a: {  	v2 =	vld [tilespmem:$0x2830]  }
0x4b: {  	v3 =	vld [tilespmem:$0x2820]  }
0x4c: {  	v4 =	vld [tilespmem:$0x2810]  }
0x4d: {  	v5 =	vld [tilespmem:$0x2800]  }
0x4e: {  	v1 =	vsub.s32 v1, v0  }
.Ltmp0:
0x4f: {  	v2 =	vsub.s32 v2, v0;
	v1 =	vmin.u32 v1, $0x1400;
	(pc) =	sbr.rel @p0 .LBB2_2-.Ltmp0, $4  }
0x50: {  	v3 =	vsub.s32 v3, v0;
	v2 =	vmin.u32 v2, $0x1400;
	[tilespmem:$0x28C0] =	vst v1  }
0x51: {  	v1 =	vsub.s32 v4, v0;
	v3 =	vmin.u32 v3, $0x1400;
	[tilespmem:$0x28B0] =	vst v2  }
0x52: {  	v2 =	vsub.s32 v5, v0;
	v4 =	vmin.u32 v1, $0x1400;
	[tilespmem:$0x28A0] =	vst v3  }
0x53: {  	v1 =	vmin.u32 v2, $0x1400;
	[tilespmem:$0x2890] =	vst v4  }
0x54: {  	[tilespmem:$0x2880] =	vst v1  }
0x55: {  	[spmem:s2] =	stream.indirect.scatter.add.f32 [tilespmem:s3], [sflag:$0x1], $0x80, s18, s17, $0xb8;
	[tilespmem:$0xC940] =	vst v63  }
0x56: {  	_ =	swait.ge [sflag:s11], $0x2800  }
0x57: {  	s19 =	sadd.s32 $0x1, s19;
	[sflag:s11] =	ssyncset.done $0x0  }
0x58: {  	p0 =	sne.s32 s19, s7;
	[sflag:s11] =	ssyncadd.s32 $0xFFFFD800  }
.Ltmp1:
0x59: {  	[bflag:$0x0] =	sbarrier.arrive $0xFFFF;
	(pc) =	sbr.rel @p0 .LBB2_1-.Ltmp1, $4  }
0x5a: {  	[hbm:s6], [sflag:s5] =	dma.local [spmem:s10], $0x1400  }
0x5b: {  	_ =	swait.ge [sflag:s11], $0x1400  }
0x5c: {  	[sflag:s11] =	ssyncset.done $0x0  }
0x5d: {  	[sflag:s11] =	ssyncadd.s32 $0xFFFFEC00  }
0x5e: {  	_ =	sfence.sel $0x180000  }
0x5f: {  	[bflag:$0x0] =	sbarrier.arrive $0xFFFF  }
0x60: {  	p0 =	sne.s32 s0, $0x0;
	_ =	strace $0x9000004A  }
0x61: {  	s0 =	sadd.s32 @!p0 $0x100000, s1;
	[bflag:$0x2] =	sbarrier.arrive $0xFFFF  }
0x62: {  	[sflag:s0] =	ssyncadd.tile.s32 @!p0 $0x1;
	_ =	shalt  }
.Lfunc_end2:
_tile_overlayer_lowered:
.L_overlay_start_2:
0x63: {  	(tag) =	ssettag $0x2  }
0x64: {  	s0 =	rddreg [dreg:$0x0];
	s2 =	stileid.u32  }
0x65: {  	s1 =	rddreg [dreg:$0x1];
	p0 =	sne.s32 s2, $0x0  }
0x66: {  	s3 =	rddreg [dreg:$0x2];
	[bflag:$0x3] =	sbarrier.arrive $0xFFFF;
	s2 =	simm.s32 @!p0 $0x1C01  }
0x67: {  	[timem:s3], [sflag:s2] =	dma.local @!p0 [hbm:s0], s1  }
0x68: {  	s0 =	simm.s32 @!p0 $0x1  }
0x69: {  	_ =	swait.ge @!p0 [sflag:s0], s1  }
0x6a: {  	s1 =	ssub.s32 @!p0 $0x0, s1;
	[sflag:s0] =	ssyncset.done @!p0 $0x0  }
0x6b: {  	[sflag:s0] =	ssyncadd.s32 @!p0 s1  }
0x6c: {  	[bflag:$0x3] =	sbarrier.arrive $0xFFFF  }
0x6d: {  	_ =	shalt  }

// kernel: kernel.8.cloned.1.call-start
scs
__scs_entry_jumppad:
0x0: {  	(pc) =	sbr.rel $0x88, $3  }
0x1: {  	(tag) =	ssettag $0x0;
	lr =	simm.s32 $0x1  }
0x2: {  	[smem:$0x3F9D] =	sst lr;
	_ =	strace $0xD0000000  }
0x3: {  	_ = 	snop  }
0x4: {  	_ = 	snop  }
0x5: {  	_ = 	snop  }
0x6: {  	_ = 	snop  }
0x7: {  	_ = 	snop  }
__scs_overlays_trampoline_lowered:
0x8: {  	[smem:$0x3FAC] =	sst s0  }
0x9: {  	[smem:$0x3FAD] =	sst s1  }
0xa: {  	[smem:$0x3FAE] =	sst s2  }
0xb: {  	[smem:$0x3FAF] =	sst s3  }
0xc: {  	[smem:$0x3FB0] =	sst s4  }
0xd: {  	[smem:$0x3FB1] =	sst s5  }
0xe: {  	[smem:$0x3FB2] =	sst s6  }
0xf: {  	[smem:$0x3FB3] =	sst s7  }
0x10: {  	[smem:$0x3FB4] =	sst s8  }
0x11: {  	[smem:$0x3FB5] =	sst s9;
	s0 =	simm.s32 @!p0 $0x0  }
0x12: {  	s1 =	sld [smem:$0x3F9B];
	s0 =	simm.s32 @p0 $0x1  }
0x13: {  	[smem:$0x3FB6] =	sst s0;
	s0 =	simm.s32 @!p1 $0x0  }
0x14: {  	s2 =	sld [smem:$0x3F9A];
	s0 =	simm.s32 @p1 $0x1  }
0x15: {  	[smem:$0x3FB7] =	sst s0;
	s0 =	simm.s32 @!p2 $0x0  }
0x16: {  	s3 =	sld [smem:$0x3FDB];
	s0 =	simm.s32 @p2 $0x1  }
0x17: {  	s4 =	simm.s32 $0x1BF5;
	[smem:$0x3FB9] =	sst s0  }
0x18: {  	s0 =	sld [smem:$0x3F9C];
	_ =	swait.ge [sflag:s4], $0x0  }
0x19: {  	s7 =	sld [smem:$0x3F9D]  }
0x1a: {  	s8 =	sadd.s32 $0xFFFFE003, lr  }
0x1b: {  	s9 =	sadd.s32 $0xFFFFFEF7, lr;
	s5 =	simm.s32 $0xFFFFFFFF;
	p2 =	slt.u32 s8, $0xFFFFF086  }
0x1c: {  	p1 =	slt.u32 s9, $0xF7A;
	s5 =	simm.s32 @!p2 $0x0  }
0x1d: {  	s5 =	simm.s32 @p1 $0x1;
	p0 =	seq.s32 s7, s2  }
0x1e: {  	s7 =	smul.u32 @!p0 $0xF7A, s2;
	p2 =	seq.s32 @!p0 s5, $0x0  }
0x1f: {  	s9 =	smul.u32 $0xF7A, s1;
	s8 =	simm.s32 @!p0 $0x1BF5;
	p2 =	por !p2, p0  }
0x20: {  	[sflag:s8] =	ssyncset.s32 @!p0 $0xFFFFF086;
	s6 =	sadd.s32 @!p0 s3, s7;
	s7 =	simm.s32 @!p0 $0x108  }
0x21: {  	s3 =	sadd.s32 s3, s9;
	s6 =	sadd.s32 @!p0 $0x88, s6;
	s7 =	simm.s32 @p2 $0x1082  }
0x22: {  	[simem:s7], [sflag:s8] =	dma.local @!p0 [hbm:s6], $0xF7A  }
0x23: {  	s9 =	sor.u32 $0xD0000000, s2;
	s6 =	simm.s32 $0x108;
	_ =	swait.ge @!p0 [sflag:s8], $0x0  }
0x24: {  	s3 =	sadd.s32 $0x88, s3;
	s6 =	simm.s32 @!p1 $0x1082;
	[sflag:s4] =	ssyncset.s32 $0xFFFFF086  }
0x25: {  	[simem:s6], [sflag:s4] =	dma.local [hbm:s3], $0xF7A  }
0x26: {  	[smem:$0x3F9D] =	sst s1;
	(tag) =	ssettag s2;
	_ =	strace s9  }
0x27: {  	s1 =	sld [smem:$0x3FAD]  }
0x28: {  	s2 =	sld [smem:$0x3FAE]  }
0x29: {  	s4 =	sld [smem:$0x3FB0]  }
0x2a: {  	p0 =	seq.s32 s5, $0x0;
	s5 =	sld [smem:$0x3FB1]  }
0x2b: {  	s6 =	sld [smem:$0x3FB2]  }
0x2c: {  	s7 =	sld [smem:$0x3FB3]  }
0x2d: {  	s3 =	simm.s32 $0x108;
	s8 =	sld [smem:$0x3FB4]  }
0x2e: {  	s3 =	simm.s32 @!p0 $0x1082;
	s9 =	sld [smem:$0x3FB5]  }
0x2f: {  	lr =	sadd.s32 s0, s3;
	s0 =	sld [smem:$0x3FAC]  }
0x30: {  	s3 =	sld [smem:$0x3FAF]  }
0x31: {  	[smem:$0x3FB8] =	sst s10  }
0x32: {  	s10 =	sld [smem:$0x3FB6];
	_ =	sdelay $0x3  }
0x33: {  	p0 =	seq.s32 s10, $0x1;
	s10 =	sld [smem:$0x3FB8];
	_ =	sdelay $0x3  }
0x34: {  	[smem:$0x3FB8] =	sst s10  }
0x35: {  	s10 =	sld [smem:$0x3FB7];
	_ =	sdelay $0x3  }
0x36: {  	p1 =	seq.s32 s10, $0x1;
	s10 =	sld [smem:$0x3FB8];
	_ =	sdelay $0x3  }
0x37: {  	[smem:$0x3FB8] =	sst s10  }
0x38: {  	s10 =	sld [smem:$0x3FB9]  }
0x39: {  	_ = 	snop;
	(pc) =	sbr.ind lr, $3  }
0x3a: {  	_ = 	snop  }
0x3b: {  	_ = 	snop  }
0x3c: {  	p2 =	seq.s32 s10, $0x1;
	s10 =	sld [smem:$0x3FB8]  }
0x3d: {  	_ =	shalt  }
0x3e: {  	_ =	shalt  }
0x3f: {  	_ =	shalt  }
0x40: {  	_ =	shalt  }
0x41: {  	_ =	shalt  }
0x42: {  	_ =	shalt  }
0x43: {  	_ =	shalt  }
0x44: {  	_ =	shalt  }
0x45: {  	_ =	shalt  }
0x46: {  	_ =	shalt  }
0x47: {  	_ =	shalt  }
0x48: {  	_ =	shalt  }
0x49: {  	_ =	shalt  }
0x4a: {  	_ =	shalt  }
0x4b: {  	_ =	shalt  }
0x4c: {  	_ =	shalt  }
0x4d: {  	_ =	shalt  }
0x4e: {  	_ =	shalt  }
0x4f: {  	_ =	shalt  }
0x50: {  	_ =	shalt  }
0x51: {  	_ =	shalt  }
0x52: {  	_ =	shalt  }
0x53: {  	_ =	shalt  }
0x54: {  	_ =	shalt  }
0x55: {  	_ =	shalt  }
0x56: {  	_ =	shalt  }
0x57: {  	_ =	shalt  }
0x58: {  	_ =	shalt  }
0x59: {  	_ =	shalt  }
0x5a: {  	_ =	shalt  }
0x5b: {  	_ =	shalt  }
0x5c: {  	_ =	shalt  }
0x5d: {  	_ =	shalt  }
0x5e: {  	_ =	shalt  }
0x5f: {  	_ =	shalt  }
0x60: {  	_ =	shalt  }
0x61: {  	_ =	shalt  }
0x62: {  	_ =	shalt  }
0x63: {  	_ =	shalt  }
0x64: {  	_ =	shalt  }
0x65: {  	_ =	shalt  }
0x66: {  	_ =	shalt  }
0x67: {  	_ =	shalt  }
0x68: {  	_ =	shalt  }
0x69: {  	_ =	shalt  }
0x6a: {  	_ =	shalt  }
0x6b: {  	_ =	shalt  }
0x6c: {  	_ =	shalt  }
0x6d: {  	_ =	shalt  }
0x6e: {  	_ =	shalt  }
0x6f: {  	_ =	shalt  }
0x70: {  	_ =	shalt  }
0x71: {  	_ =	shalt  }
0x72: {  	_ =	shalt  }
0x73: {  	_ =	shalt  }
0x74: {  	_ =	shalt  }
0x75: {  	_ =	shalt  }
0x76: {  	_ =	shalt  }
0x77: {  	_ =	shalt  }
0x78: {  	_ =	shalt  }
0x79: {  	_ =	shalt  }
0x7a: {  	_ =	shalt  }
0x7b: {  	_ =	shalt  }
0x7c: {  	_ =	shalt  }
0x7d: {  	_ =	shalt  }
0x7e: {  	_ =	shalt  }
0x7f: {  	_ =	shalt  }
0x80: {  	_ =	shalt  }
0x81: {  	_ =	shalt  }
0x82: {  	_ =	shalt  }
0x83: {  	_ =	shalt  }
0x84: {  	_ =	shalt  }
0x85: {  	_ =	shalt  }
0x86: {  	_ =	shalt  }
0x87: {  	_ =	shalt  }
.Lfunc_end0:
.L_simem_size_0:
called_computation.1_lowered:
.L_overlay_start_0:
0x88: {  	s2 =	sld [smem:$0x3FD9]  }
0x89: {  	s3 =	sld [smem:$0x3FFE];
	_ =	sdelay $0x1  }
0x8a: {  	s1 =	srdreg.scid  }
0x8b: {  	s0 =	sand.u32 $0x1, s1  }
0x8c: {  	s17 =	sshll.u32 s0, $0xA;
	s2 =	sadd.s32 s3, s2  }
0x8d: {  	s2 =	sadd.s32 s2, s17  }
0x8e: {  	[smem:$0x3FC4] =	sst s2  }
0x8f: {  	_ = 	snop  }
0x90: {  	s2 =	sld [smem:$0x3FC8]  }
0x91: {  	s18 =	sld [smem:$0x3FD0];
	(tm) =	ssettm $0x1  }
0x92: {  	s4 =	sld [smem:$0x3FFB];
	_ =	sdelay $0x3  }
0x93: {  	_ =	strace s4  }
0x94: {  	s4 =	sld [smem:$0x3FFC];
	_ =	sdelay $0x3  }
0x95: {  	_ =	strace s4  }
0x96: {  	s4 =	sld [smem:$0x3FFD];
	_ =	sdelay $0x3  }
0x97: {  	_ =	strace s4  }
0x98: {  	_ =	strace $0x8FFFFFFF  }
0x99: {  	s19 =	sld [smem:$0x3FDB];
	_ =	sdelay $0x1  }
0x9a: {  	s5 =	simm.s32 $_scs_section_size  }
0x9b: {  	s6 =	simm.s32 $_size__tile_overlayer_lowered;
	s7 =	simm.s32 $_tile_overlayer_lowered  }
0x9c: {  	s22 =	simm.s32 $0x1BFF;
	s21 =	sshll.u32 s7, $0x1;
	s4 =	sadd.s32 s5, s19  }
0x9d: {  	s8 =	simm.s32 $0x0;
	s20 =	sshll.u32 s6, $0x1;
	s6 =	sadd.s32 s21, s4  }
0x9e: {  	[timem:s8], [sflag:s22] =	dma.local [hbm:s6], s20  }
0x9f: {  	_ =	swait.ge [sflag:s22], s20  }
0xa0: {  	s5 =	ssub.s32 $0x0, s20;
	[sflag:s22] =	ssyncset.done $0x0  }
0xa1: {  	[sflag:s22] =	ssyncadd.s32 s5;
	_ =	sdelay $0x1  }
0xa2: {  	s23 =	simm.s32 $0x1B8B  }
0xa3: {  	_ =	swait.ge [sflag:s23], $0x1  }
0xa4: {  	[sflag:s23] =	ssyncset.done $0x0  }
0xa5: {  	s25 =	simm.s32 $0x1B8E;
	s24 =	sld [smem:$0x3FFE];
	[sflag:s23] =	ssyncadd.s32 $0xFFFFFFFF  }
0xa6: {  	s26 =	simm.s32 $execute0_lowered;
	[smem:$0x3FD2] =	sst s25  }
0xa7: {  	s6 =	sshll.u32 s26, $0x1;
	_ =	strace $0x80000046;
	[dreg:$0x1] =	wrdreg $0xFFFFFFFF  }
0xa8: {  	s28 =	simm.s32 $_size_execute0_lowered;
	s4 =	sadd.s32 s4, s6;
	[dreg:$0x0] =	wrdreg $0x0  }
0xa9: {  	s6 =	sshll.u32 s28, $0x1;
	[dreg:$0x2] =	wrdreg s4  }
0xaa: {  	[dreg:$0x3] =	wrdreg s6  }
0xab: {  	[dreg:$0x4] =	wrdreg $0xC0  }
0xac: {  	_ =	task [dreg:s8], $0x5FFFF  }
0xad: {  	[dreg:$0x1] =	wrdreg $0xFFFFFFFF  }
0xae: {  	[dreg:$0x0] =	wrdreg $0x60  }
0xaf: {  	[dreg:$0x2] =	wrdreg s2  }
0xb0: {  	[dreg:$0x3] =	wrdreg s24  }
0xb1: {  	[dreg:$0x4] =	wrdreg s18  }
0xb2: {  	[dreg:$0x5] =	wrdreg $0x29000  }
0xb3: {  	[dreg:$0x6] =	wrdreg $0xA  }
0xb4: {  	_ =	task.clear_ibuf [dreg:s8], $0x7FFFF;
	_ =	strace $0x90000046  }
0xb5: {  	s29 =	simm.s32 $0xA;
	_ =	strace $0x80000048  }
0xb6: {  	_ =	swait.ge [sflag:s29], $0x1  }
0xb7: {  	[sflag:s29] =	ssyncadd.s32 $0xFFFFFFFF  }
0xb8: {  	_ =	strace $0x90000048  }
0xb9: {  	_ =	sfence  }
0xba: {  	s30 =	sld [smem:$0x0];
	_ =	sdelay $0x2  }
0xbb: {  	s31 =	sshll.u32 s1, $0xD;
	s1 =	sshrl.u32 s1, $0x2  }
0xbc: {  	s3 =	sand.u32 $0x4000, s31;
	s1 =	sadd.s32 s1, s30  }
0xbd: {  	s0 =	sor.u32 s3, s0;
	s1 =	sshll.u32 s1, $0x11  }
0xbe: {  	s0 =	sor.u32 s1, s0  }
0xbf: {  	s0 =	sadd.s32 $0x8F2B, s0  }
0xc0: {  	[sflag:s0] =	ssyncadd.remote.s32 $0x1  }
0xc1: {  	_ =	sfence.sel $0xFFFF  }
0xc2: {  	[dreg:$0x0] =	wrdreg $0xFFFFFFFF;
	(pc) =	sbr.abs _section_cstart, $3  }
0xc3: {  	[dreg:$0x1] =	wrdreg $0xFFFFFFFF  }
0xc4: {  	_ =	task.clear_ibuf [dreg:s8], $0x2FFFF;
	_ =	strace $0x9FFFFFFF  }
0xc5: {  	(tm) =	ssettm $0x7FFFFFFF  }
tec
execute0_lowered:
.L_overlay_start_1:
0x0: {  	(tag) =	ssettag $0x1  }
0x1: {  	s8 =	rddreg [dreg:$0x0]  }
0x2: {  	s6 =	rddreg [dreg:$0x1]  }
0x3: {  	s1 =	rddreg [dreg:$0x2];
	s3 =	srdreg.scid  }
0x4: {  	s2 =	rddreg [dreg:$0x3];
	s7 =	sand.u32 $0x1, s3  }
0x5: {  	s3 =	stileid.u32;
	s9 =	smul.u32 $0xA0000, s7  }
0x6: {  	s0 =	rddreg [dreg:$0x4];
	s4 =	simm.s32 $0x0;
	s10 =	smul.u32 $0xA000, s3  }
0x7: {  	s18 =	simm.s32 $0x2880;
	s19 =	simm.s32 $0x0;
	s11 =	smul.u32 $0x28000, s3  }
0x8: {  	[smem:$0x7FF] =	sst s4;
	s5 =	sadd.s32 $0x1000, s6;
	s17 =	smul.u32 $0x1400, s7  }
0x9: {  	_ =	strace $0x80000047;
	s28 =	ssub.s32 $0x2, s7;
	s31 =	smul.u32 $0x9C4, s3  }
0xa: {  	s16 =	sshll.u32 s3, $0x6;
	s12 =	sshrl.u32 s28, $0x1;
	s9 =	sadd.s32 s10, s9  }
0xb: {  	s11 =	sshrl.u32 s11, $0x2;
	s29 =	ssub.s32 s28, s12;
	s8 =	sadd.s32 s31, s8  }
0xc: {  	s10 =	sor.u32 $0x1C01, s16;
	s16 =	simm.s32 $0x2800;
	v0 =	vmov s17;
	s17 =	simm.s32 $0x50  }
0xd: {  	s9 =	sshrl.u32 s9, $0x3;
	s11 =	sadd.s32 s11, s2;
	s7 =	smax.u32 s29, $0x1  }
0xe: {  	s6 =	sadd.s32 s9, s6;
	s30 =	sadd.s32 $0x2000, s11;
	s13 =	sadd.s32 $0x4000, s11  }
0xf: {  	s14 =	sadd.s32 $0x6000, s11;
	s15 =	sadd.s32 $0x8000, s11;
	s9 =	simm.s32 $0x1  }
0x10: {  	s11 =	sshrl.u32 s11, $0x3;
	s6 =	sadd.s32 $0x1400, s6;
	s12 =	sshrl.u32 s30, $0x3  }
0x11: {  	s13 =	sshrl.u32 s13, $0x3;
	s14 =	sshrl.u32 s14, $0x3;
	s15 =	sshrl.u32 s15, $0x3  }
.LBB2_1:
0x12: {  	[tilespmem:s4], [sflag:$0x1] =	stream.linear.gather [hbm4b:s1+s4], $0x2800, $0x38;
	[tilespmem:$0xC940] =	vst v63  }
0x13: {  	_ =	swait.ge [sflag:s9], $0x2800  }
0x14: {  	[sflag:s9] =	ssyncset.done $0x0  }
0x15: {  	[sflag:s9] =	ssyncadd.s32 $0xFFFFD800  }
0x16: {  	[spmem:s11], [sflag:s10] =	dma.local [hbm:s5], $0x400  }
0x17: {  	_ =	swait.ge [sflag:s9], $0x400  }
0x18: {  	[sflag:s9] =	ssyncset.done $0x0  }
0x19: {  	[sflag:s9] =	ssyncadd.s32 $0xFFFFFC00  }
0x1a: {  	[spmem:s12], [sflag:s10] =	dma.local [hbm:s5], $0x400  }
0x1b: {  	_ =	swait.ge [sflag:s9], $0x400  }
0x1c: {  	[sflag:s9] =	ssyncset.done $0x0  }
0x1d: {  	[sflag:s9] =	ssyncadd.s32 $0xFFFFFC00  }
0x1e: {  	[spmem:s13], [sflag:s10] =	dma.local [hbm:s5], $0x400  }
0x1f: {  	_ =	swait.ge [sflag:s9], $0x400  }
0x20: {  	[sflag:s9] =	ssyncset.done $0x0  }
0x21: {  	[sflag:s9] =	ssyncadd.s32 $0xFFFFFC00  }
0x22: {  	[spmem:s14], [sflag:s10] =	dma.local [hbm:s5], $0x400  }
0x23: {  	_ =	swait.ge [sflag:s9], $0x400  }
0x24: {  	[sflag:s9] =	ssyncset.done $0x0  }
0x25: {  	[sflag:s9] =	ssyncadd.s32 $0xFFFFFC00  }
0x26: {  	[spmem:s15], [sflag:s10] =	dma.local [hbm:s5], $0x400  }
0x27: {  	_ =	swait.ge [sflag:s9], $0x400  }
0x28: {  	[sflag:s9] =	ssyncset.done $0x0  }
0x29: {  	[sflag:s9] =	ssyncadd.s32 $0xFFFFFC00  }
0x2a: {  	s20 =	sadd.s32 $0x0, s8;
	[bflag:$0x0] =	sbarrier.arrive $0xFFFF  }
0x2b: {  	[tilespmem:s16], [sflag:$0x1] =	stream.linear.gather [hbm4b:s20+s4], $0x50, $0x38;
	[tilespmem:$0xC940] =	vst v63  }
0x2c: {  	_ =	swait.ge [sflag:s9], $0x50  }
0x2d: {  	[sflag:s9] =	ssyncset.done $0x0  }
0x2e: {  	[sflag:s9] =	ssyncadd.s32 $0xFFFFFFB0  }
0x2f: {  	v1 =	vld [tilespmem:$0x2840]  }
0x30: {  	v2 =	vld [tilespmem:$0x2830]  }
0x31: {  	v3 =	vld [tilespmem:$0x2820]  }
0x32: {  	v4 =	vld [tilespmem:$0x2810]  }
0x33: {  	v5 =	vld [tilespmem:$0x2800]  }
0x34: {  	v1 =	vsub.s32 v1, v0  }
0x35: {  	v2 =	vsub.s32 v2, v0;
	v1 =	vmin.u32 v1, $0x1400  }
0x36: {  	v3 =	vsub.s32 v3, v0;
	v2 =	vmin.u32 v2, $0x1400;
	[tilespmem:$0x28C0] =	vst v1  }
0x37: {  	v3 =	vmin.u32 v3, $0x1400;
	v1 =	vsub.s32 v4, v0;
	[tilespmem:$0x28B0] =	vst v2  }
0x38: {  	v2 =	vsub.s32 v5, v0;
	[tilespmem:$0x28A0] =	vst v3;
	v4 =	vmin.u32 v1, $0x1400  }
0x39: {  	s20 =	simm.s32 $0xA;
	v1 =	vmin.u32 v2, $0x1400;
	[tilespmem:$0x2890] =	vst v4  }
.LBB2_2:
0x3a: {  	p0 =	sne.s32 s20, $0x9BA;
	[tilespmem:$0x2880] =	vst v1;
	s21 =	smov.u32 s20;
	s20 =	sadd.s32 $0xA, s20  }
0x3b: {  	[spmem:s2] =	stream.indirect.scatter.add.f32 [tilespmem:s4], [sflag:$0x1], $0x80, s18, s17, $0xb8;
	[tilespmem:$0xC940] =	vst v63  }
0x3c: {  	_ =	swait.ge [sflag:s9], $0x2800  }
0x3d: {  	[sflag:s9] =	ssyncset.done $0x0  }
0x3e: {  	s21 =	sadd.s32 s21, s8;
	[sflag:s9] =	ssyncadd.s32 $0xFFFFD800  }
0x3f: {  	[tilespmem:s16], [sflag:$0x1] =	stream.linear.gather [hbm4b:s21+s4], $0x50, $0x38;
	[tilespmem:$0xC940] =	vst v63  }
0x40: {  	_ =	swait.ge [sflag:s9], $0x50  }
0x41: {  	[sflag:s9] =	ssyncset.done $0x0  }
0x42: {  	[sflag:s9] =	ssyncadd.s32 $0xFFFFFFB0  }
0x43: {  	v1 =	vld [tilespmem:$0x2840]  }
0x44: {  	v2 =	vld [tilespmem:$0x2830]  }
0x45: {  	v3 =	vld [tilespmem:$0x2820]  }
0x46: {  	v4 =	vld [tilespmem:$0x2810]  }
0x47: {  	v5 =	vld [tilespmem:$0x2800]  }
0x48: {  	v1 =	vsub.s32 v1, v0  }
.Ltmp0:
0x49: {  	v2 =	vsub.s32 v2, v0;
	v1 =	vmin.u32 v1, $0x1400;
	(pc) =	sbr.rel @p0 .LBB2_2-.Ltmp0, $4  }
0x4a: {  	v3 =	vsub.s32 v3, v0;
	v2 =	vmin.u32 v2, $0x1400;
	[tilespmem:$0x28C0] =	vst v1  }
0x4b: {  	v1 =	vsub.s32 v4, v0;
	v3 =	vmin.u32 v3, $0x1400;
	[tilespmem:$0x28B0] =	vst v2  }
0x4c: {  	v2 =	vsub.s32 v5, v0;
	v4 =	vmin.u32 v1, $0x1400;
	[tilespmem:$0x28A0] =	vst v3  }
0x4d: {  	v1 =	vmin.u32 v2, $0x1400;
	[tilespmem:$0x2890] =	vst v4  }
0x4e: {  	[tilespmem:$0x2880] =	vst v1  }
0x4f: {  	[spmem:s2] =	stream.indirect.scatter.add.f32 [tilespmem:s4], [sflag:$0x1], $0x80, s18, s17, $0xb8;
	[tilespmem:$0xC940] =	vst v63  }
0x50: {  	_ =	swait.ge [sflag:s9], $0x2800  }
0x51: {  	s19 =	sadd.s32 $0x1, s19;
	[sflag:s9] =	ssyncset.done $0x0  }
0x52: {  	p0 =	sne.s32 s19, s7;
	[sflag:s9] =	ssyncadd.s32 $0xFFFFD800  }
.Ltmp1:
0x53: {  	[bflag:$0x0] =	sbarrier.arrive $0xFFFF;
	(pc) =	sbr.rel @p0 .LBB2_1-.Ltmp1, $4  }
0x54: {  	[hbm:s6], [sflag:s10] =	dma.local [spmem:s11], $0x1400  }
0x55: {  	_ =	swait.ge [sflag:s9], $0x1400  }
0x56: {  	[sflag:s9] =	ssyncset.done $0x0  }
0x57: {  	[sflag:s9] =	ssyncadd.s32 $0xFFFFEC00  }
0x58: {  	_ =	sfence.sel $0x180000  }
0x59: {  	[bflag:$0x0] =	sbarrier.arrive $0xFFFF  }
0x5a: {  	p0 =	sne.s32 s3, $0x0;
	_ =	strace $0x90000047  }
0x5b: {  	s0 =	sadd.s32 @!p0 $0x100000, s0;
	[bflag:$0x2] =	sbarrier.arrive $0xFFFF  }
0x5c: {  	[sflag:s0] =	ssyncadd.tile.s32 @!p0 $0x1;
	_ =	shalt  }
.Lfunc_end2:
_tile_overlayer_lowered:
.L_overlay_start_2:
0x5d: {  	(tag) =	ssettag $0x2  }
0x5e: {  	s0 =	rddreg [dreg:$0x0];
	s2 =	stileid.u32  }
0x5f: {  	s1 =	rddreg [dreg:$0x1];
	p0 =	sne.s32 s2, $0x0  }
0x60: {  	s3 =	rddreg [dreg:$0x2];
	[bflag:$0x3] =	sbarrier.arrive $0xFFFF;
	s2 =	simm.s32 @!p0 $0x1C01  }
0x61: {  	[timem:s3], [sflag:s2] =	dma.local @!p0 [hbm:s0], s1  }
0x62: {  	s0 =	simm.s32 @!p0 $0x1  }
0x63: {  	_ =	swait.ge @!p0 [sflag:s0], s1  }
0x64: {  	s1 =	ssub.s32 @!p0 $0x0, s1;
	[sflag:s0] =	ssyncset.done @!p0 $0x0  }
0x65: {  	[sflag:s0] =	ssyncadd.s32 @!p0 s1  }
0x66: {  	[bflag:$0x3] =	sbarrier.arrive $0xFFFF  }
0x67: {  	_ =	shalt  }

</sc_bundles>
